<compile_context>
chip_gen: v7x
topology: tpu7x:2x2x1
jax: 0.10.2.dev20260603
libtpu: 0.0.44.dev20260713+nightly
codegen_flags: <defaults>
</compile_context>

<pallas_src>
import functools

import jax
import jax.numpy as jnp
from jax import lax
from jax.experimental import pallas as pl
from jax.experimental.pallas import tpu as pltpu
from jax.experimental.pallas import tpu_sc as plsc

NUM_ROWS = 17
D = 128
CHUNK = 64
NBUF = 8
AHEAD = 4


@functools.lru_cache(maxsize=None)
def _build(batch: int):
    info = plsc.get_sparse_core_info()
    nw = info.num_cores * info.num_subcores
    assert batch % (nw * NBUF * CHUNK) == 0
    b_per_w = batch // nw
    n_chunks = b_per_w // CHUNK
    mesh = plsc.VectorSubcoreMesh(core_axis_name="c", subcore_axis_name="s")

    @functools.partial(
        pl.kernel,
        out_type=jax.ShapeDtypeStruct((batch, D), jnp.float32),
        mesh=mesh,
        scratch_types=[
            pltpu.VMEM_SHARED((NUM_ROWS, D), jnp.float32),
            pltpu.VMEM((n_chunks, CHUNK), jnp.int32),
        ]
        + [pltpu.VMEM((CHUNK, D), jnp.float32)] * NBUF
        + [pltpu.SemaphoreType.DMA] * (2 * NBUF),
    )
    def gather_kernel(idx_hbm, table_hbm, out_hbm, table_sh, idx_all, *bufs):
        rows = bufs[:NBUF]
        gsem = bufs[NBUF:2 * NBUF]
        osem = bufs[2 * NBUF:]
        wid = lax.axis_index("s") * info.num_cores + lax.axis_index("c")
        base = wid * b_per_w

        @pl.when(lax.axis_index("s") == 0)
        def _stage_table():
            pltpu.sync_copy(table_hbm, table_sh)

        pltpu.sync_copy(
            idx_hbm.at[pl.ds(wid * n_chunks, n_chunks)], idx_all)
        plsc.subcore_barrier()

        def start_gather(g, b):
            pltpu.async_copy(table_sh.at[idx_all.at[g]], rows[b], gsem[b])

        def wait_gather(b):
            pltpu.make_async_copy(
                table_sh.at[idx_all.at[0]], rows[b], gsem[b]).wait()

        def start_out(g, b):
            pltpu.async_copy(
                rows[b], out_hbm.at[pl.ds(base + g * CHUNK, CHUNK)], osem[b])

        def wait_out(b):
            pltpu.make_async_copy(
                rows[b], out_hbm.at[pl.ds(base, CHUNK)], osem[b]).wait()

        for g0 in range(AHEAD):
            start_gather(g0, g0)

        def ring_body(gg, carry):
            for p in range(NBUF):
                g = gg * NBUF + p
                b = p
                b2 = (p + AHEAD) % NBUF

                @pl.when(g >= NBUF - AHEAD)
                def _drain_out():
                    wait_out(b2)

                @pl.when(g + AHEAD < n_chunks)
                def _prefetch():
                    start_gather(g + AHEAD, b2)

                wait_gather(b)
                start_out(g, b)
            return carry

        lax.fori_loop(0, n_chunks // NBUF, ring_body, 0)
        for gtail in range(n_chunks - (NBUF - AHEAD), n_chunks):
            wait_out(gtail % NBUF)

    return gather_kernel


def kernel(hierarchy_labels, weight):
    b, l = hierarchy_labels.shape
    idx = hierarchy_labels.reshape(-1, CHUNK).astype(jnp.int32)
    out = _build(b * l)(idx, weight)
    return out.reshape(b, l, D)

# --- scband reference (transcript-rebuilt; emitter-appended) ---
"""Pipeline reference for scband-hierarchy-embedding-61976378081368 (READ-ONLY COPY).

The authoritative reference and input builder live on the scoring server;
editing this copy changes nothing except your own understanding.
"""

import jax, jax.numpy as jnp
import numpy as np

NUM_LEVELS = 16
HIDDEN_SIZE = 128


def setup_inputs(seed: int = 0) -> dict:
    key = jax.random.key(seed)
    k1, k2 = jax.random.split(key)
    hierarchy_labels = jax.random.randint(k1, (4096, 200), 0, NUM_LEVELS + 1, dtype=jnp.int64 if jax.config.jax_enable_x64 else jnp.int32)
    weight = 0.02 * jax.random.normal(k2, (NUM_LEVELS + 1, HIDDEN_SIZE), dtype=jnp.float32)
    return {"hierarchy_labels": hierarchy_labels, "weight": weight}


def reference(hierarchy_labels, weight):
    # nn.Embedding lookup: [B, L] -> [B, L, hidden_size]
    return jnp.take(weight, hierarchy_labels, axis=0)

if __name__ == "__main__":
    import jax
    _d = setup_inputs()
    print(jax.jit(kernel)(*tuple(_d.values())))

</pallas_src>

<mosaic_0001>
#map = affine_map<(d0, d1) -> (0, 0)>
module attributes {stable_mosaic.version = 14 : i64} {
  func.func @gather_kernel(%arg0: i32, %arg1: i32, %arg2: memref<12800x64xi32, #tpu.memory_space<hbm>>, %arg3: memref<17x128xf32, #tpu.memory_space<hbm>>, %arg4: memref<819200x128xf32, #tpu.memory_space<hbm>>, %arg5: memref<17x128xf32, #tpu.memory_space<vmem_shared>>, %arg6: memref<400x64xi32, #tpu.memory_space<vmem>>, %arg7: memref<64x128xf32, #tpu.memory_space<vmem>>, %arg8: memref<64x128xf32, #tpu.memory_space<vmem>>, %arg9: memref<64x128xf32, #tpu.memory_space<vmem>>, %arg10: memref<64x128xf32, #tpu.memory_space<vmem>>, %arg11: memref<64x128xf32, #tpu.memory_space<vmem>>, %arg12: memref<64x128xf32, #tpu.memory_space<vmem>>, %arg13: memref<64x128xf32, #tpu.memory_space<vmem>>, %arg14: memref<64x128xf32, #tpu.memory_space<vmem>>, %arg15: memref<!tpu.dma_semaphore, #tpu.memory_space<semaphore_mem>>, %arg16: memref<!tpu.dma_semaphore, #tpu.memory_space<semaphore_mem>>, %arg17: memref<!tpu.dma_semaphore, #tpu.memory_space<semaphore_mem>>, %arg18: memref<!tpu.dma_semaphore, #tpu.memory_space<semaphore_mem>>, %arg19: memref<!tpu.dma_semaphore, #tpu.memory_space<semaphore_mem>>, %arg20: memref<!tpu.dma_semaphore, #tpu.memory_space<semaphore_mem>>, %arg21: memref<!tpu.dma_semaphore, #tpu.memory_space<semaphore_mem>>, %arg22: memref<!tpu.dma_semaphore, #tpu.memory_space<semaphore_mem>>, %arg23: memref<!tpu.dma_semaphore, #tpu.memory_space<semaphore_mem>>, %arg24: memref<!tpu.dma_semaphore, #tpu.memory_space<semaphore_mem>>, %arg25: memref<!tpu.dma_semaphore, #tpu.memory_space<semaphore_mem>>, %arg26: memref<!tpu.dma_semaphore, #tpu.memory_space<semaphore_mem>>, %arg27: memref<!tpu.dma_semaphore, #tpu.memory_space<semaphore_mem>>, %arg28: memref<!tpu.dma_semaphore, #tpu.memory_space<semaphore_mem>>, %arg29: memref<!tpu.dma_semaphore, #tpu.memory_space<semaphore_mem>>, %arg30: memref<!tpu.dma_semaphore, #tpu.memory_space<semaphore_mem>>) attributes {dimension_semantics = [#tpu.dimension_semantics<core_parallel>, #tpu.dimension_semantics<subcore_parallel>], iteration_bounds = array<i64: 2, 16>, scalar_prefetch = 0 : i64, scratch_operands = 26 : i64, tpu.core_type = #tpu.core_type<sc_vector_subcore>, window_params = [{transform_indices = #map}, {transform_indices = #map}, {transform_indices = #map}]} {
    %mul3A = arith.constant 2 : i32
    %mul3A_0 = arith.muli %arg1, %mul3A : i32
    %add3A = arith.addi %mul3A_0, %arg0 : i32
    %mul3A_1 = arith.constant 25600 : i32
    %mul3A_2 = arith.muli %add3A, %mul3A_1 : i32
    %eq3A = arith.constant 0 : i32
    %eq3A_3 = arith.cmpi eq, %arg1, %eq3A : i32
    %convert_element_type3A = arith.extui %eq3A_3 : i1 to i32
    %cond3A = arith.constant 0 : i32
    %cond3A_4 = arith.cmpi ne, %convert_element_type3A, %cond3A : i32
    scf.if %cond3A_4 {
      "tpu.region"() ({
        %run_scoped3A = tpu.sem_alloc : memref<!tpu.dma_semaphore, #tpu.memory_space<semaphore_mem>>
        tpu.enqueue_dma source(%arg3 : memref<17x128xf32, #tpu.memory_space<hbm>>) target(%arg5 : memref<17x128xf32, #tpu.memory_space<vmem_shared>>) target_semaphore(%run_scoped3A : memref<!tpu.dma_semaphore, #tpu.memory_space<semaphore_mem>>)
        tpu.wait_dma2 semaphore(%run_scoped3A : memref<!tpu.dma_semaphore, #tpu.memory_space<semaphore_mem>>) src(%arg3 : memref<17x128xf32, #tpu.memory_space<hbm>>) dst(%arg5 : memref<17x128xf32, #tpu.memory_space<vmem_shared>>)
        tpu.yield
      }) : () -> ()
    } else {
    }
    %mul3A_5 = arith.constant 400 : i32
    %mul3A_6 = arith.muli %add3A, %mul3A_5 : i32
    "tpu.region"() ({
      %run_scoped3A = tpu.sem_alloc : memref<!tpu.dma_semaphore, #tpu.memory_space<semaphore_mem>>
      %dma_start3A_54 = arith.constant 0 : i32
      %dma_start3A_55 = tpu.memref_slice %arg2[%mul3A_6, %dma_start3A_54] : memref<12800x64xi32, #tpu.memory_space<hbm>> -> memref<400x64xi32, #tpu.memory_space<hbm>>
      %dma_start3A_56 = arith.constant 0 : i32
      %dma_start3A_57 = tpu.memref_slice %arg2[%mul3A_6, %dma_start3A_56] : memref<12800x64xi32, #tpu.memory_space<hbm>> -> memref<400x64xi32, #tpu.memory_space<hbm>>
      tpu.enqueue_dma source(%dma_start3A_57 : memref<400x64xi32, #tpu.memory_space<hbm>>) target(%arg6 : memref<400x64xi32, #tpu.memory_space<vmem>>) target_semaphore(%run_scoped3A : memref<!tpu.dma_semaphore, #tpu.memory_space<semaphore_mem>>)
      %dma_wait3A_58 = arith.constant 0 : i32
      %dma_wait3A_59 = tpu.memref_slice %arg2[%mul3A_6, %dma_wait3A_58] : memref<12800x64xi32, #tpu.memory_space<hbm>> -> memref<400x64xi32, #tpu.memory_space<hbm>>
      %dma_wait3A_60 = arith.constant 0 : i32
      %dma_wait3A_61 = tpu.memref_slice %arg2[%mul3A_6, %dma_wait3A_60] : memref<12800x64xi32, #tpu.memory_space<hbm>> -> memref<400x64xi32, #tpu.memory_space<hbm>>
      tpu.wait_dma2 semaphore(%run_scoped3A : memref<!tpu.dma_semaphore, #tpu.memory_space<semaphore_mem>>) src(%dma_wait3A_61 : memref<400x64xi32, #tpu.memory_space<hbm>>) dst(%arg6 : memref<400x64xi32, #tpu.memory_space<vmem>>)
      tpu.yield
    }) : () -> ()
    %barrier3A = arith.constant 0 : index
    tpu.barrier barrier_id(%barrier3A)
    %dma_start3A = arith.constant 0 : i32
    %dma_start3A_7 = arith.constant 0 : i32
    %dma_start3A_8 = tpu.memref_slice %arg6[%dma_start3A, %dma_start3A_7] : memref<400x64xi32, #tpu.memory_space<vmem>> -> memref<1x64xi32, #tpu.memory_space<vmem>>
    %dma_start3A_9 = tpu.memref_squeeze %dma_start3A_8 : memref<1x64xi32, #tpu.memory_space<vmem>> -> memref<64xi32, #tpu.memory_space<vmem>>
    %dma_start3A_10 = arith.constant 0 : i32
    %dma_start3A_11 = arith.constant 0 : i32
    %dma_start3A_12 = tpu.memref_slice %arg5[%dma_start3A_10, %dma_start3A_11] : memref<17x128xf32, #tpu.memory_space<vmem_shared>> -> memref<17x128xf32, #tpu.memory_space<vmem_shared>>
    tpu.enqueue_indirect_dma source(%dma_start3A_12 : memref<17x128xf32, #tpu.memory_space<vmem_shared>>) target(%arg7 : memref<64x128xf32, #tpu.memory_space<vmem>>) offsets(%dma_start3A_9 : memref<64xi32, #tpu.memory_space<vmem>>) semaphore(%arg15 : memref<!tpu.dma_semaphore, #tpu.memory_space<semaphore_mem>>)
    %dma_start3A_13 = arith.constant 1 : i32
    %dma_start3A_14 = arith.constant 0 : i32
    %dma_start3A_15 = tpu.memref_slice %arg6[%dma_start3A_13, %dma_start3A_14] : memref<400x64xi32, #tpu.memory_space<vmem>> -> memref<1x64xi32, #tpu.memory_space<vmem>>
    %dma_start3A_16 = tpu.memref_squeeze %dma_start3A_15 : memref<1x64xi32, #tpu.memory_space<vmem>> -> memref<64xi32, #tpu.memory_space<vmem>>
    %dma_start3A_17 = arith.constant 0 : i32
    %dma_start3A_18 = arith.constant 0 : i32
    %dma_start3A_19 = tpu.memref_slice %arg5[%dma_start3A_17, %dma_start3A_18] : memref<17x128xf32, #tpu.memory_space<vmem_shared>> -> memref<17x128xf32, #tpu.memory_space<vmem_shared>>
    tpu.enqueue_indirect_dma source(%dma_start3A_19 : memref<17x128xf32, #tpu.memory_space<vmem_shared>>) target(%arg8 : memref<64x128xf32, #tpu.memory_space<vmem>>) offsets(%dma_start3A_16 : memref<64xi32, #tpu.memory_space<vmem>>) semaphore(%arg16 : memref<!tpu.dma_semaphore, #tpu.memory_space<semaphore_mem>>)
    %dma_start3A_20 = arith.constant 2 : i32
    %dma_start3A_21 = arith.constant 0 : i32
    %dma_start3A_22 = tpu.memref_slice %arg6[%dma_start3A_20, %dma_start3A_21] : memref<400x64xi32, #tpu.memory_space<vmem>> -> memref<1x64xi32, #tpu.memory_space<vmem>>
    %dma_start3A_23 = tpu.memref_squeeze %dma_start3A_22 : memref<1x64xi32, #tpu.memory_space<vmem>> -> memref<64xi32, #tpu.memory_space<vmem>>
    %dma_start3A_24 = arith.constant 0 : i32
    %dma_start3A_25 = arith.constant 0 : i32
    %dma_start3A_26 = tpu.memref_slice %arg5[%dma_start3A_24, %dma_start3A_25] : memref<17x128xf32, #tpu.memory_space<vmem_shared>> -> memref<17x128xf32, #tpu.memory_space<vmem_shared>>
    tpu.enqueue_indirect_dma source(%dma_start3A_26 : memref<17x128xf32, #tpu.memory_space<vmem_shared>>) target(%arg9 : memref<64x128xf32, #tpu.memory_space<vmem>>) offsets(%dma_start3A_23 : memref<64xi32, #tpu.memory_space<vmem>>) semaphore(%arg17 : memref<!tpu.dma_semaphore, #tpu.memory_space<semaphore_mem>>)
    %dma_start3A_27 = arith.constant 3 : i32
    %dma_start3A_28 = arith.constant 0 : i32
    %dma_start3A_29 = tpu.memref_slice %arg6[%dma_start3A_27, %dma_start3A_28] : memref<400x64xi32, #tpu.memory_space<vmem>> -> memref<1x64xi32, #tpu.memory_space<vmem>>
    %dma_start3A_30 = tpu.memref_squeeze %dma_start3A_29 : memref<1x64xi32, #tpu.memory_space<vmem>> -> memref<64xi32, #tpu.memory_space<vmem>>
    %dma_start3A_31 = arith.constant 0 : i32
    %dma_start3A_32 = arith.constant 0 : i32
    %dma_start3A_33 = tpu.memref_slice %arg5[%dma_start3A_31, %dma_start3A_32] : memref<17x128xf32, #tpu.memory_space<vmem_shared>> -> memref<17x128xf32, #tpu.memory_space<vmem_shared>>
    tpu.enqueue_indirect_dma source(%dma_start3A_33 : memref<17x128xf32, #tpu.memory_space<vmem_shared>>) target(%arg10 : memref<64x128xf32, #tpu.memory_space<vmem>>) offsets(%dma_start3A_30 : memref<64xi32, #tpu.memory_space<vmem>>) semaphore(%arg18 : memref<!tpu.dma_semaphore, #tpu.memory_space<semaphore_mem>>)
    %scan3A = arith.constant 0 : i32
    %scan3A_34 = arith.constant 0 : i32
    %scan3A_35 = arith.constant 50 : i32
    %scan3A_36 = arith.addi %scan3A_34, %scan3A_35 : i32
    %scan3A_37 = arith.constant 1 : i32
    scf.for %scan3A_54 = %scan3A_34 to %scan3A_36 step %scan3A_37  : i32 {
      %mul3A_55 = arith.constant 8 : i32
      %mul3A_56 = arith.muli %scan3A_54, %mul3A_55 : i32
      %add3A_57 = arith.constant 0 : i32
      %add3A_58 = arith.addi %mul3A_56, %add3A_57 : i32
      %ge3A = arith.constant 4 : i32
      %ge3A_59 = arith.cmpi sge, %add3A_58, %ge3A : i32
      %convert_element_type3A_60 = arith.extui %ge3A_59 : i1 to i32
      %cond3A_61 = arith.constant 0 : i32
      %cond3A_62 = arith.cmpi ne, %convert_element_type3A_60, %cond3A_61 : i32
      scf.if %cond3A_62 {
        %dma_wait3A_293 = arith.constant 0 : i32
        %dma_wait3A_294 = tpu.memref_slice %arg4[%mul3A_2, %dma_wait3A_293] : memref<819200x128xf32, #tpu.memory_space<hbm>> -> memref<64x128xf32, #tpu.memory_space<hbm>>
        %dma_wait3A_295 = arith.constant 0 : i32
        %dma_wait3A_296 = tpu.memref_slice %arg4[%mul3A_2, %dma_wait3A_295] : memref<819200x128xf32, #tpu.memory_space<hbm>> -> memref<64x128xf32, #tpu.memory_space<hbm>>
        tpu.wait_dma2 semaphore(%arg27 : memref<!tpu.dma_semaphore, #tpu.memory_space<semaphore_mem>>) src(%arg11 : memref<64x128xf32, #tpu.memory_space<vmem>>) dst(%dma_wait3A_296 : memref<64x128xf32, #tpu.memory_space<hbm>>)
      } else {
      }
      %add3A_63 = arith.constant 4 : i32
      %add3A_64 = arith.addi %add3A_58, %add3A_63 : i32
      %lt3A = arith.constant 400 : i32
      %lt3A_65 = arith.cmpi slt, %add3A_64, %lt3A : i32
      %convert_element_type3A_66 = arith.extui %lt3A_65 : i1 to i32
      %cond3A_67 = arith.constant 0 : i32
      %cond3A_68 = arith.cmpi ne, %convert_element_type3A_66, %cond3A_67 : i32
      scf.if %cond3A_68 {
        %add3A_293 = arith.constant 4 : i32
        %add3A_294 = arith.addi %add3A_58, %add3A_293 : i32
        %dma_start3A_295 = arith.constant 0 : i32
        %dma_start3A_296 = tpu.memref_slice %arg6[%add3A_294, %dma_start3A_295] : memref<400x64xi32, #tpu.memory_space<vmem>> -> memref<1x64xi32, #tpu.memory_space<vmem>>
        %dma_start3A_297 = tpu.memref_squeeze %dma_start3A_296 : memref<1x64xi32, #tpu.memory_space<vmem>> -> memref<64xi32, #tpu.memory_space<vmem>>
        %dma_start3A_298 = arith.constant 0 : i32
        %dma_start3A_299 = arith.constant 0 : i32
        %dma_start3A_300 = tpu.memref_slice %arg5[%dma_start3A_298, %dma_start3A_299] : memref<17x128xf32, #tpu.memory_space<vmem_shared>> -> memref<17x128xf32, #tpu.memory_space<vmem_shared>>
        tpu.enqueue_indirect_dma source(%dma_start3A_300 : memref<17x128xf32, #tpu.memory_space<vmem_shared>>) target(%arg11 : memref<64x128xf32, #tpu.memory_space<vmem>>) offsets(%dma_start3A_297 : memref<64xi32, #tpu.memory_space<vmem>>) semaphore(%arg19 : memref<!tpu.dma_semaphore, #tpu.memory_space<semaphore_mem>>)
      } else {
      }
      %dma_wait3A_69 = arith.constant 0 : i32
      %dma_wait3A_70 = arith.constant 0 : i32
      %dma_wait3A_71 = tpu.memref_slice %arg6[%dma_wait3A_69, %dma_wait3A_70] : memref<400x64xi32, #tpu.memory_space<vmem>> -> memref<1x64xi32, #tpu.memory_space<vmem>>
      %dma_wait3A_72 = tpu.memref_squeeze %dma_wait3A_71 : memref<1x64xi32, #tpu.memory_space<vmem>> -> memref<64xi32, #tpu.memory_space<vmem>>
      %dma_wait3A_73 = arith.constant 0 : i32
      %dma_wait3A_74 = arith.constant 0 : i32
      %dma_wait3A_75 = tpu.memref_slice %arg5[%dma_wait3A_73, %dma_wait3A_74] : memref<17x128xf32, #tpu.memory_space<vmem_shared>> -> memref<17x128xf32, #tpu.memory_space<vmem_shared>>
      tpu.wait_indirect_dma semaphore(%arg15 : memref<!tpu.dma_semaphore, #tpu.memory_space<semaphore_mem>>) src(%dma_wait3A_75 : memref<17x128xf32, #tpu.memory_space<vmem_shared>>) dst(%arg7 : memref<64x128xf32, #tpu.memory_space<vmem>>)
      %mul3A_76 = arith.constant 64 : i32
      %mul3A_77 = arith.muli %add3A_58, %mul3A_76 : i32
      %add3A_78 = arith.addi %mul3A_2, %mul3A_77 : i32
      %dma_start3A_79 = arith.constant 0 : i32
      %dma_start3A_80 = tpu.memref_slice %arg4[%add3A_78, %dma_start3A_79] : memref<819200x128xf32, #tpu.memory_space<hbm>> -> memref<64x128xf32, #tpu.memory_space<hbm>>
      %dma_start3A_81 = arith.constant 0 : i32
      %dma_start3A_82 = tpu.memref_slice %arg4[%add3A_78, %dma_start3A_81] : memref<819200x128xf32, #tpu.memory_space<hbm>> -> memref<64x128xf32, #tpu.memory_space<hbm>>
      tpu.enqueue_dma source(%arg7 : memref<64x128xf32, #tpu.memory_space<vmem>>) target(%dma_start3A_82 : memref<64x128xf32, #tpu.memory_space<hbm>>) target_semaphore(%arg23 : memref<!tpu.dma_semaphore, #tpu.memory_space<semaphore_mem>>)
      %mul3A_83 = arith.constant 8 : i32
      %mul3A_84 = arith.muli %scan3A_54, %mul3A_83 : i32
      %add3A_85 = arith.constant 1 : i32
      %add3A_86 = arith.addi %mul3A_84, %add3A_85 : i32
      %ge3A_87 = arith.constant 4 : i32
      %ge3A_88 = arith.cmpi sge, %add3A_86, %ge3A_87 : i32
      %convert_element_type3A_89 = arith.extui %ge3A_88 : i1 to i32
      %cond3A_90 = arith.constant 0 : i32
      %cond3A_91 = arith.cmpi ne, %convert_element_type3A_89, %cond3A_90 : i32
      scf.if %cond3A_91 {
        %dma_wait3A_293 = arith.constant 0 : i32
        %dma_wait3A_294 = tpu.memref_slice %arg4[%mul3A_2, %dma_wait3A_293] : memref<819200x128xf32, #tpu.memory_space<hbm>> -> memref<64x128xf32, #tpu.memory_space<hbm>>
        %dma_wait3A_295 = arith.constant 0 : i32
        %dma_wait3A_296 = tpu.memref_slice %arg4[%mul3A_2, %dma_wait3A_295] : memref<819200x128xf32, #tpu.memory_space<hbm>> -> memref<64x128xf32, #tpu.memory_space<hbm>>
        tpu.wait_dma2 semaphore(%arg28 : memref<!tpu.dma_semaphore, #tpu.memory_space<semaphore_mem>>) src(%arg12 : memref<64x128xf32, #tpu.memory_space<vmem>>) dst(%dma_wait3A_296 : memref<64x128xf32, #tpu.memory_space<hbm>>)
      } else {
      }
      %add3A_92 = arith.constant 4 : i32
      %add3A_93 = arith.addi %add3A_86, %add3A_92 : i32
      %lt3A_94 = arith.constant 400 : i32
      %lt3A_95 = arith.cmpi slt, %add3A_93, %lt3A_94 : i32
      %convert_element_type3A_96 = arith.extui %lt3A_95 : i1 to i32
      %cond3A_97 = arith.constant 0 : i32
      %cond3A_98 = arith.cmpi ne, %convert_element_type3A_96, %cond3A_97 : i32
      scf.if %cond3A_98 {
        %add3A_293 = arith.constant 4 : i32
        %add3A_294 = arith.addi %add3A_86, %add3A_293 : i32
        %dma_start3A_295 = arith.constant 0 : i32
        %dma_start3A_296 = tpu.memref_slice %arg6[%add3A_294, %dma_start3A_295] : memref<400x64xi32, #tpu.memory_space<vmem>> -> memref<1x64xi32, #tpu.memory_space<vmem>>
        %dma_start3A_297 = tpu.memref_squeeze %dma_start3A_296 : memref<1x64xi32, #tpu.memory_space<vmem>> -> memref<64xi32, #tpu.memory_space<vmem>>
        %dma_start3A_298 = arith.constant 0 : i32
        %dma_start3A_299 = arith.constant 0 : i32
        %dma_start3A_300 = tpu.memref_slice %arg5[%dma_start3A_298, %dma_start3A_299] : memref<17x128xf32, #tpu.memory_space<vmem_shared>> -> memref<17x128xf32, #tpu.memory_space<vmem_shared>>
        tpu.enqueue_indirect_dma source(%dma_start3A_300 : memref<17x128xf32, #tpu.memory_space<vmem_shared>>) target(%arg12 : memref<64x128xf32, #tpu.memory_space<vmem>>) offsets(%dma_start3A_297 : memref<64xi32, #tpu.memory_space<vmem>>) semaphore(%arg20 : memref<!tpu.dma_semaphore, #tpu.memory_space<semaphore_mem>>)
      } else {
      }
      %dma_wait3A_99 = arith.constant 0 : i32
      %dma_wait3A_100 = arith.constant 0 : i32
      %dma_wait3A_101 = tpu.memref_slice %arg6[%dma_wait3A_99, %dma_wait3A_100] : memref<400x64xi32, #tpu.memory_space<vmem>> -> memref<1x64xi32, #tpu.memory_space<vmem>>
      %dma_wait3A_102 = tpu.memref_squeeze %dma_wait3A_101 : memref<1x64xi32, #tpu.memory_space<vmem>> -> memref<64xi32, #tpu.memory_space<vmem>>
      %dma_wait3A_103 = arith.constant 0 : i32
      %dma_wait3A_104 = arith.constant 0 : i32
      %dma_wait3A_105 = tpu.memref_slice %arg5[%dma_wait3A_103, %dma_wait3A_104] : memref<17x128xf32, #tpu.memory_space<vmem_shared>> -> memref<17x128xf32, #tpu.memory_space<vmem_shared>>
      tpu.wait_indirect_dma semaphore(%arg16 : memref<!tpu.dma_semaphore, #tpu.memory_space<semaphore_mem>>) src(%dma_wait3A_105 : memref<17x128xf32, #tpu.memory_space<vmem_shared>>) dst(%arg8 : memref<64x128xf32, #tpu.memory_space<vmem>>)
      %mul3A_106 = arith.constant 64 : i32
      %mul3A_107 = arith.muli %add3A_86, %mul3A_106 : i32
      %add3A_108 = arith.addi %mul3A_2, %mul3A_107 : i32
      %dma_start3A_109 = arith.constant 0 : i32
      %dma_start3A_110 = tpu.memref_slice %arg4[%add3A_108, %dma_start3A_109] : memref<819200x128xf32, #tpu.memory_space<hbm>> -> memref<64x128xf32, #tpu.memory_space<hbm>>
      %dma_start3A_111 = arith.constant 0 : i32
      %dma_start3A_112 = tpu.memref_slice %arg4[%add3A_108, %dma_start3A_111] : memref<819200x128xf32, #tpu.memory_space<hbm>> -> memref<64x128xf32, #tpu.memory_space<hbm>>
      tpu.enqueue_dma source(%arg8 : memref<64x128xf32, #tpu.memory_space<vmem>>) target(%dma_start3A_112 : memref<64x128xf32, #tpu.memory_space<hbm>>) target_semaphore(%arg24 : memref<!tpu.dma_semaphore, #tpu.memory_space<semaphore_mem>>)
      %mul3A_113 = arith.constant 8 : i32
      %mul3A_114 = arith.muli %scan3A_54, %mul3A_113 : i32
      %add3A_115 = arith.constant 2 : i32
      %add3A_116 = arith.addi %mul3A_114, %add3A_115 : i32
      %ge3A_117 = arith.constant 4 : i32
      %ge3A_118 = arith.cmpi sge, %add3A_116, %ge3A_117 : i32
      %convert_element_type3A_119 = arith.extui %ge3A_118 : i1 to i32
      %cond3A_120 = arith.constant 0 : i32
      %cond3A_121 = arith.cmpi ne, %convert_element_type3A_119, %cond3A_120 : i32
      scf.if %cond3A_121 {
        %dma_wait3A_293 = arith.constant 0 : i32
        %dma_wait3A_294 = tpu.memref_slice %arg4[%mul3A_2, %dma_wait3A_293] : memref<819200x128xf32, #tpu.memory_space<hbm>> -> memref<64x128xf32, #tpu.memory_space<hbm>>
        %dma_wait3A_295 = arith.constant 0 : i32
        %dma_wait3A_296 = tpu.memref_slice %arg4[%mul3A_2, %dma_wait3A_295] : memref<819200x128xf32, #tpu.memory_space<hbm>> -> memref<64x128xf32, #tpu.memory_space<hbm>>
        tpu.wait_dma2 semaphore(%arg29 : memref<!tpu.dma_semaphore, #tpu.memory_space<semaphore_mem>>) src(%arg13 : memref<64x128xf32, #tpu.memory_space<vmem>>) dst(%dma_wait3A_296 : memref<64x128xf32, #tpu.memory_space<hbm>>)
      } else {
      }
      %add3A_122 = arith.constant 4 : i32
      %add3A_123 = arith.addi %add3A_116, %add3A_122 : i32
      %lt3A_124 = arith.constant 400 : i32
      %lt3A_125 = arith.cmpi slt, %add3A_123, %lt3A_124 : i32
      %convert_element_type3A_126 = arith.extui %lt3A_125 : i1 to i32
      %cond3A_127 = arith.constant 0 : i32
      %cond3A_128 = arith.cmpi ne, %convert_element_type3A_126, %cond3A_127 : i32
      scf.if %cond3A_128 {
        %add3A_293 = arith.constant 4 : i32
        %add3A_294 = arith.addi %add3A_116, %add3A_293 : i32
        %dma_start3A_295 = arith.constant 0 : i32
        %dma_start3A_296 = tpu.memref_slice %arg6[%add3A_294, %dma_start3A_295] : memref<400x64xi32, #tpu.memory_space<vmem>> -> memref<1x64xi32, #tpu.memory_space<vmem>>
        %dma_start3A_297 = tpu.memref_squeeze %dma_start3A_296 : memref<1x64xi32, #tpu.memory_space<vmem>> -> memref<64xi32, #tpu.memory_space<vmem>>
        %dma_start3A_298 = arith.constant 0 : i32
        %dma_start3A_299 = arith.constant 0 : i32
        %dma_start3A_300 = tpu.memref_slice %arg5[%dma_start3A_298, %dma_start3A_299] : memref<17x128xf32, #tpu.memory_space<vmem_shared>> -> memref<17x128xf32, #tpu.memory_space<vmem_shared>>
        tpu.enqueue_indirect_dma source(%dma_start3A_300 : memref<17x128xf32, #tpu.memory_space<vmem_shared>>) target(%arg13 : memref<64x128xf32, #tpu.memory_space<vmem>>) offsets(%dma_start3A_297 : memref<64xi32, #tpu.memory_space<vmem>>) semaphore(%arg21 : memref<!tpu.dma_semaphore, #tpu.memory_space<semaphore_mem>>)
      } else {
      }
      %dma_wait3A_129 = arith.constant 0 : i32
      %dma_wait3A_130 = arith.constant 0 : i32
      %dma_wait3A_131 = tpu.memref_slice %arg6[%dma_wait3A_129, %dma_wait3A_130] : memref<400x64xi32, #tpu.memory_space<vmem>> -> memref<1x64xi32, #tpu.memory_space<vmem>>
      %dma_wait3A_132 = tpu.memref_squeeze %dma_wait3A_131 : memref<1x64xi32, #tpu.memory_space<vmem>> -> memref<64xi32, #tpu.memory_space<vmem>>
      %dma_wait3A_133 = arith.constant 0 : i32
      %dma_wait3A_134 = arith.constant 0 : i32
      %dma_wait3A_135 = tpu.memref_slice %arg5[%dma_wait3A_133, %dma_wait3A_134] : memref<17x128xf32, #tpu.memory_space<vmem_shared>> -> memref<17x128xf32, #tpu.memory_space<vmem_shared>>
      tpu.wait_indirect_dma semaphore(%arg17 : memref<!tpu.dma_semaphore, #tpu.memory_space<semaphore_mem>>) src(%dma_wait3A_135 : memref<17x128xf32, #tpu.memory_space<vmem_shared>>) dst(%arg9 : memref<64x128xf32, #tpu.memory_space<vmem>>)
      %mul3A_136 = arith.constant 64 : i32
      %mul3A_137 = arith.muli %add3A_116, %mul3A_136 : i32
      %add3A_138 = arith.addi %mul3A_2, %mul3A_137 : i32
      %dma_start3A_139 = arith.constant 0 : i32
      %dma_start3A_140 = tpu.memref_slice %arg4[%add3A_138, %dma_start3A_139] : memref<819200x128xf32, #tpu.memory_space<hbm>> -> memref<64x128xf32, #tpu.memory_space<hbm>>
      %dma_start3A_141 = arith.constant 0 : i32
      %dma_start3A_142 = tpu.memref_slice %arg4[%add3A_138, %dma_start3A_141] : memref<819200x128xf32, #tpu.memory_space<hbm>> -> memref<64x128xf32, #tpu.memory_space<hbm>>
      tpu.enqueue_dma source(%arg9 : memref<64x128xf32, #tpu.memory_space<vmem>>) target(%dma_start3A_142 : memref<64x128xf32, #tpu.memory_space<hbm>>) target_semaphore(%arg25 : memref<!tpu.dma_semaphore, #tpu.memory_space<semaphore_mem>>)
      %mul3A_143 = arith.constant 8 : i32
      %mul3A_144 = arith.muli %scan3A_54, %mul3A_143 : i32
      %add3A_145 = arith.constant 3 : i32
      %add3A_146 = arith.addi %mul3A_144, %add3A_145 : i32
      %ge3A_147 = arith.constant 4 : i32
      %ge3A_148 = arith.cmpi sge, %add3A_146, %ge3A_147 : i32
      %convert_element_type3A_149 = arith.extui %ge3A_148 : i1 to i32
      %cond3A_150 = arith.constant 0 : i32
      %cond3A_151 = arith.cmpi ne, %convert_element_type3A_149, %cond3A_150 : i32
      scf.if %cond3A_151 {
        %dma_wait3A_293 = arith.constant 0 : i32
        %dma_wait3A_294 = tpu.memref_slice %arg4[%mul3A_2, %dma_wait3A_293] : memref<819200x128xf32, #tpu.memory_space<hbm>> -> memref<64x128xf32, #tpu.memory_space<hbm>>
        %dma_wait3A_295 = arith.constant 0 : i32
        %dma_wait3A_296 = tpu.memref_slice %arg4[%mul3A_2, %dma_wait3A_295] : memref<819200x128xf32, #tpu.memory_space<hbm>> -> memref<64x128xf32, #tpu.memory_space<hbm>>
        tpu.wait_dma2 semaphore(%arg30 : memref<!tpu.dma_semaphore, #tpu.memory_space<semaphore_mem>>) src(%arg14 : memref<64x128xf32, #tpu.memory_space<vmem>>) dst(%dma_wait3A_296 : memref<64x128xf32, #tpu.memory_space<hbm>>)
      } else {
      }
      %add3A_152 = arith.constant 4 : i32
      %add3A_153 = arith.addi %add3A_146, %add3A_152 : i32
      %lt3A_154 = arith.constant 400 : i32
      %lt3A_155 = arith.cmpi slt, %add3A_153, %lt3A_154 : i32
      %convert_element_type3A_156 = arith.extui %lt3A_155 : i1 to i32
      %cond3A_157 = arith.constant 0 : i32
      %cond3A_158 = arith.cmpi ne, %convert_element_type3A_156, %cond3A_157 : i32
      scf.if %cond3A_158 {
        %add3A_293 = arith.constant 4 : i32
        %add3A_294 = arith.addi %add3A_146, %add3A_293 : i32
        %dma_start3A_295 = arith.constant 0 : i32
        %dma_start3A_296 = tpu.memref_slice %arg6[%add3A_294, %dma_start3A_295] : memref<400x64xi32, #tpu.memory_space<vmem>> -> memref<1x64xi32, #tpu.memory_space<vmem>>
        %dma_start3A_297 = tpu.memref_squeeze %dma_start3A_296 : memref<1x64xi32, #tpu.memory_space<vmem>> -> memref<64xi32, #tpu.memory_space<vmem>>
        %dma_start3A_298 = arith.constant 0 : i32
        %dma_start3A_299 = arith.constant 0 : i32
        %dma_start3A_300 = tpu.memref_slice %arg5[%dma_start3A_298, %dma_start3A_299] : memref<17x128xf32, #tpu.memory_space<vmem_shared>> -> memref<17x128xf32, #tpu.memory_space<vmem_shared>>
        tpu.enqueue_indirect_dma source(%dma_start3A_300 : memref<17x128xf32, #tpu.memory_space<vmem_shared>>) target(%arg14 : memref<64x128xf32, #tpu.memory_space<vmem>>) offsets(%dma_start3A_297 : memref<64xi32, #tpu.memory_space<vmem>>) semaphore(%arg22 : memref<!tpu.dma_semaphore, #tpu.memory_space<semaphore_mem>>)
      } else {
      }
      %dma_wait3A_159 = arith.constant 0 : i32
      %dma_wait3A_160 = arith.constant 0 : i32
      %dma_wait3A_161 = tpu.memref_slice %arg6[%dma_wait3A_159, %dma_wait3A_160] : memref<400x64xi32, #tpu.memory_space<vmem>> -> memref<1x64xi32, #tpu.memory_space<vmem>>
      %dma_wait3A_162 = tpu.memref_squeeze %dma_wait3A_161 : memref<1x64xi32, #tpu.memory_space<vmem>> -> memref<64xi32, #tpu.memory_space<vmem>>
      %dma_wait3A_163 = arith.constant 0 : i32
      %dma_wait3A_164 = arith.constant 0 : i32
      %dma_wait3A_165 = tpu.memref_slice %arg5[%dma_wait3A_163, %dma_wait3A_164] : memref<17x128xf32, #tpu.memory_space<vmem_shared>> -> memref<17x128xf32, #tpu.memory_space<vmem_shared>>
      tpu.wait_indirect_dma semaphore(%arg18 : memref<!tpu.dma_semaphore, #tpu.memory_space<semaphore_mem>>) src(%dma_wait3A_165 : memref<17x128xf32, #tpu.memory_space<vmem_shared>>) dst(%arg10 : memref<64x128xf32, #tpu.memory_space<vmem>>)
      %mul3A_166 = arith.constant 64 : i32
      %mul3A_167 = arith.muli %add3A_146, %mul3A_166 : i32
      %add3A_168 = arith.addi %mul3A_2, %mul3A_167 : i32
      %dma_start3A_169 = arith.constant 0 : i32
      %dma_start3A_170 = tpu.memref_slice %arg4[%add3A_168, %dma_start3A_169] : memref<819200x128xf32, #tpu.memory_space<hbm>> -> memref<64x128xf32, #tpu.memory_space<hbm>>
      %dma_start3A_171 = arith.constant 0 : i32
      %dma_start3A_172 = tpu.memref_slice %arg4[%add3A_168, %dma_start3A_171] : memref<819200x128xf32, #tpu.memory_space<hbm>> -> memref<64x128xf32, #tpu.memory_space<hbm>>
      tpu.enqueue_dma source(%arg10 : memref<64x128xf32, #tpu.memory_space<vmem>>) target(%dma_start3A_172 : memref<64x128xf32, #tpu.memory_space<hbm>>) target_semaphore(%arg26 : memref<!tpu.dma_semaphore, #tpu.memory_space<semaphore_mem>>)
      %mul3A_173 = arith.constant 8 : i32
      %mul3A_174 = arith.muli %scan3A_54, %mul3A_173 : i32
      %add3A_175 = arith.constant 4 : i32
      %add3A_176 = arith.addi %mul3A_174, %add3A_175 : i32
      %ge3A_177 = arith.constant 4 : i32
      %ge3A_178 = arith.cmpi sge, %add3A_176, %ge3A_177 : i32
      %convert_element_type3A_179 = arith.extui %ge3A_178 : i1 to i32
      %cond3A_180 = arith.constant 0 : i32
      %cond3A_181 = arith.cmpi ne, %convert_element_type3A_179, %cond3A_180 : i32
      scf.if %cond3A_181 {
        %dma_wait3A_293 = arith.constant 0 : i32
        %dma_wait3A_294 = tpu.memref_slice %arg4[%mul3A_2, %dma_wait3A_293] : memref<819200x128xf32, #tpu.memory_space<hbm>> -> memref<64x128xf32, #tpu.memory_space<hbm>>
        %dma_wait3A_295 = arith.constant 0 : i32
        %dma_wait3A_296 = tpu.memref_slice %arg4[%mul3A_2, %dma_wait3A_295] : memref<819200x128xf32, #tpu.memory_space<hbm>> -> memref<64x128xf32, #tpu.memory_space<hbm>>
        tpu.wait_dma2 semaphore(%arg23 : memref<!tpu.dma_semaphore, #tpu.memory_space<semaphore_mem>>) src(%arg7 : memref<64x128xf32, #tpu.memory_space<vmem>>) dst(%dma_wait3A_296 : memref<64x128xf32, #tpu.memory_space<hbm>>)
      } else {
      }
      %add3A_182 = arith.constant 4 : i32
      %add3A_183 = arith.addi %add3A_176, %add3A_182 : i32
      %lt3A_184 = arith.constant 400 : i32
      %lt3A_185 = arith.cmpi slt, %add3A_183, %lt3A_184 : i32
      %convert_element_type3A_186 = arith.extui %lt3A_185 : i1 to i32
      %cond3A_187 = arith.constant 0 : i32
      %cond3A_188 = arith.cmpi ne, %convert_element_type3A_186, %cond3A_187 : i32
      scf.if %cond3A_188 {
        %add3A_293 = arith.constant 4 : i32
        %add3A_294 = arith.addi %add3A_176, %add3A_293 : i32
        %dma_start3A_295 = arith.constant 0 : i32
        %dma_start3A_296 = tpu.memref_slice %arg6[%add3A_294, %dma_start3A_295] : memref<400x64xi32, #tpu.memory_space<vmem>> -> memref<1x64xi32, #tpu.memory_space<vmem>>
        %dma_start3A_297 = tpu.memref_squeeze %dma_start3A_296 : memref<1x64xi32, #tpu.memory_space<vmem>> -> memref<64xi32, #tpu.memory_space<vmem>>
        %dma_start3A_298 = arith.constant 0 : i32
        %dma_start3A_299 = arith.constant 0 : i32
        %dma_start3A_300 = tpu.memref_slice %arg5[%dma_start3A_298, %dma_start3A_299] : memref<17x128xf32, #tpu.memory_space<vmem_shared>> -> memref<17x128xf32, #tpu.memory_space<vmem_shared>>
        tpu.enqueue_indirect_dma source(%dma_start3A_300 : memref<17x128xf32, #tpu.memory_space<vmem_shared>>) target(%arg7 : memref<64x128xf32, #tpu.memory_space<vmem>>) offsets(%dma_start3A_297 : memref<64xi32, #tpu.memory_space<vmem>>) semaphore(%arg15 : memref<!tpu.dma_semaphore, #tpu.memory_space<semaphore_mem>>)
      } else {
      }
      %dma_wait3A_189 = arith.constant 0 : i32
      %dma_wait3A_190 = arith.constant 0 : i32
      %dma_wait3A_191 = tpu.memref_slice %arg6[%dma_wait3A_189, %dma_wait3A_190] : memref<400x64xi32, #tpu.memory_space<vmem>> -> memref<1x64xi32, #tpu.memory_space<vmem>>
      %dma_wait3A_192 = tpu.memref_squeeze %dma_wait3A_191 : memref<1x64xi32, #tpu.memory_space<vmem>> -> memref<64xi32, #tpu.memory_space<vmem>>
      %dma_wait3A_193 = arith.constant 0 : i32
      %dma_wait3A_194 = arith.constant 0 : i32
      %dma_wait3A_195 = tpu.memref_slice %arg5[%dma_wait3A_193, %dma_wait3A_194] : memref<17x128xf32, #tpu.memory_space<vmem_shared>> -> memref<17x128xf32, #tpu.memory_space<vmem_shared>>
      tpu.wait_indirect_dma semaphore(%arg19 : memref<!tpu.dma_semaphore, #tpu.memory_space<semaphore_mem>>) src(%dma_wait3A_195 : memref<17x128xf32, #tpu.memory_space<vmem_shared>>) dst(%arg11 : memref<64x128xf32, #tpu.memory_space<vmem>>)
      %mul3A_196 = arith.constant 64 : i32
      %mul3A_197 = arith.muli %add3A_176, %mul3A_196 : i32
      %add3A_198 = arith.addi %mul3A_2, %mul3A_197 : i32
      %dma_start3A_199 = arith.constant 0 : i32
      %dma_start3A_200 = tpu.memref_slice %arg4[%add3A_198, %dma_start3A_199] : memref<819200x128xf32, #tpu.memory_space<hbm>> -> memref<64x128xf32, #tpu.memory_space<hbm>>
      %dma_start3A_201 = arith.constant 0 : i32
      %dma_start3A_202 = tpu.memref_slice %arg4[%add3A_198, %dma_start3A_201] : memref<819200x128xf32, #tpu.memory_space<hbm>> -> memref<64x128xf32, #tpu.memory_space<hbm>>
      tpu.enqueue_dma source(%arg11 : memref<64x128xf32, #tpu.memory_space<vmem>>) target(%dma_start3A_202 : memref<64x128xf32, #tpu.memory_space<hbm>>) target_semaphore(%arg27 : memref<!tpu.dma_semaphore, #tpu.memory_space<semaphore_mem>>)
      %mul3A_203 = arith.constant 8 : i32
      %mul3A_204 = arith.muli %scan3A_54, %mul3A_203 : i32
      %add3A_205 = arith.constant 5 : i32
      %add3A_206 = arith.addi %mul3A_204, %add3A_205 : i32
      %ge3A_207 = arith.constant 4 : i32
      %ge3A_208 = arith.cmpi sge, %add3A_206, %ge3A_207 : i32
      %convert_element_type3A_209 = arith.extui %ge3A_208 : i1 to i32
      %cond3A_210 = arith.constant 0 : i32
      %cond3A_211 = arith.cmpi ne, %convert_element_type3A_209, %cond3A_210 : i32
      scf.if %cond3A_211 {
        %dma_wait3A_293 = arith.constant 0 : i32
        %dma_wait3A_294 = tpu.memref_slice %arg4[%mul3A_2, %dma_wait3A_293] : memref<819200x128xf32, #tpu.memory_space<hbm>> -> memref<64x128xf32, #tpu.memory_space<hbm>>
        %dma_wait3A_295 = arith.constant 0 : i32
        %dma_wait3A_296 = tpu.memref_slice %arg4[%mul3A_2, %dma_wait3A_295] : memref<819200x128xf32, #tpu.memory_space<hbm>> -> memref<64x128xf32, #tpu.memory_space<hbm>>
        tpu.wait_dma2 semaphore(%arg24 : memref<!tpu.dma_semaphore, #tpu.memory_space<semaphore_mem>>) src(%arg8 : memref<64x128xf32, #tpu.memory_space<vmem>>) dst(%dma_wait3A_296 : memref<64x128xf32, #tpu.memory_space<hbm>>)
      } else {
      }
      %add3A_212 = arith.constant 4 : i32
      %add3A_213 = arith.addi %add3A_206, %add3A_212 : i32
      %lt3A_214 = arith.constant 400 : i32
      %lt3A_215 = arith.cmpi slt, %add3A_213, %lt3A_214 : i32
      %convert_element_type3A_216 = arith.extui %lt3A_215 : i1 to i32
      %cond3A_217 = arith.constant 0 : i32
      %cond3A_218 = arith.cmpi ne, %convert_element_type3A_216, %cond3A_217 : i32
      scf.if %cond3A_218 {
        %add3A_293 = arith.constant 4 : i32
        %add3A_294 = arith.addi %add3A_206, %add3A_293 : i32
        %dma_start3A_295 = arith.constant 0 : i32
        %dma_start3A_296 = tpu.memref_slice %arg6[%add3A_294, %dma_start3A_295] : memref<400x64xi32, #tpu.memory_space<vmem>> -> memref<1x64xi32, #tpu.memory_space<vmem>>
        %dma_start3A_297 = tpu.memref_squeeze %dma_start3A_296 : memref<1x64xi32, #tpu.memory_space<vmem>> -> memref<64xi32, #tpu.memory_space<vmem>>
        %dma_start3A_298 = arith.constant 0 : i32
        %dma_start3A_299 = arith.constant 0 : i32
        %dma_start3A_300 = tpu.memref_slice %arg5[%dma_start3A_298, %dma_start3A_299] : memref<17x128xf32, #tpu.memory_space<vmem_shared>> -> memref<17x128xf32, #tpu.memory_space<vmem_shared>>
        tpu.enqueue_indirect_dma source(%dma_start3A_300 : memref<17x128xf32, #tpu.memory_space<vmem_shared>>) target(%arg8 : memref<64x128xf32, #tpu.memory_space<vmem>>) offsets(%dma_start3A_297 : memref<64xi32, #tpu.memory_space<vmem>>) semaphore(%arg16 : memref<!tpu.dma_semaphore, #tpu.memory_space<semaphore_mem>>)
      } else {
      }
      %dma_wait3A_219 = arith.constant 0 : i32
      %dma_wait3A_220 = arith.constant 0 : i32
      %dma_wait3A_221 = tpu.memref_slice %arg6[%dma_wait3A_219, %dma_wait3A_220] : memref<400x64xi32, #tpu.memory_space<vmem>> -> memref<1x64xi32, #tpu.memory_space<vmem>>
      %dma_wait3A_222 = tpu.memref_squeeze %dma_wait3A_221 : memref<1x64xi32, #tpu.memory_space<vmem>> -> memref<64xi32, #tpu.memory_space<vmem>>
      %dma_wait3A_223 = arith.constant 0 : i32
      %dma_wait3A_224 = arith.constant 0 : i32
      %dma_wait3A_225 = tpu.memref_slice %arg5[%dma_wait3A_223, %dma_wait3A_224] : memref<17x128xf32, #tpu.memory_space<vmem_shared>> -> memref<17x128xf32, #tpu.memory_space<vmem_shared>>
      tpu.wait_indirect_dma semaphore(%arg20 : memref<!tpu.dma_semaphore, #tpu.memory_space<semaphore_mem>>) src(%dma_wait3A_225 : memref<17x128xf32, #tpu.memory_space<vmem_shared>>) dst(%arg12 : memref<64x128xf32, #tpu.memory_space<vmem>>)
      %mul3A_226 = arith.constant 64 : i32
      %mul3A_227 = arith.muli %add3A_206, %mul3A_226 : i32
      %add3A_228 = arith.addi %mul3A_2, %mul3A_227 : i32
      %dma_start3A_229 = arith.constant 0 : i32
      %dma_start3A_230 = tpu.memref_slice %arg4[%add3A_228, %dma_start3A_229] : memref<819200x128xf32, #tpu.memory_space<hbm>> -> memref<64x128xf32, #tpu.memory_space<hbm>>
      %dma_start3A_231 = arith.constant 0 : i32
      %dma_start3A_232 = tpu.memref_slice %arg4[%add3A_228, %dma_start3A_231] : memref<819200x128xf32, #tpu.memory_space<hbm>> -> memref<64x128xf32, #tpu.memory_space<hbm>>
      tpu.enqueue_dma source(%arg12 : memref<64x128xf32, #tpu.memory_space<vmem>>) target(%dma_start3A_232 : memref<64x128xf32, #tpu.memory_space<hbm>>) target_semaphore(%arg28 : memref<!tpu.dma_semaphore, #tpu.memory_space<semaphore_mem>>)
      %mul3A_233 = arith.constant 8 : i32
      %mul3A_234 = arith.muli %scan3A_54, %mul3A_233 : i32
      %add3A_235 = arith.constant 6 : i32
      %add3A_236 = arith.addi %mul3A_234, %add3A_235 : i32
      %ge3A_237 = arith.constant 4 : i32
      %ge3A_238 = arith.cmpi sge, %add3A_236, %ge3A_237 : i32
      %convert_element_type3A_239 = arith.extui %ge3A_238 : i1 to i32
      %cond3A_240 = arith.constant 0 : i32
      %cond3A_241 = arith.cmpi ne, %convert_element_type3A_239, %cond3A_240 : i32
      scf.if %cond3A_241 {
        %dma_wait3A_293 = arith.constant 0 : i32
        %dma_wait3A_294 = tpu.memref_slice %arg4[%mul3A_2, %dma_wait3A_293] : memref<819200x128xf32, #tpu.memory_space<hbm>> -> memref<64x128xf32, #tpu.memory_space<hbm>>
        %dma_wait3A_295 = arith.constant 0 : i32
        %dma_wait3A_296 = tpu.memref_slice %arg4[%mul3A_2, %dma_wait3A_295] : memref<819200x128xf32, #tpu.memory_space<hbm>> -> memref<64x128xf32, #tpu.memory_space<hbm>>
        tpu.wait_dma2 semaphore(%arg25 : memref<!tpu.dma_semaphore, #tpu.memory_space<semaphore_mem>>) src(%arg9 : memref<64x128xf32, #tpu.memory_space<vmem>>) dst(%dma_wait3A_296 : memref<64x128xf32, #tpu.memory_space<hbm>>)
      } else {
      }
      %add3A_242 = arith.constant 4 : i32
      %add3A_243 = arith.addi %add3A_236, %add3A_242 : i32
      %lt3A_244 = arith.constant 400 : i32
      %lt3A_245 = arith.cmpi slt, %add3A_243, %lt3A_244 : i32
      %convert_element_type3A_246 = arith.extui %lt3A_245 : i1 to i32
      %cond3A_247 = arith.constant 0 : i32
      %cond3A_248 = arith.cmpi ne, %convert_element_type3A_246, %cond3A_247 : i32
      scf.if %cond3A_248 {
        %add3A_293 = arith.constant 4 : i32
        %add3A_294 = arith.addi %add3A_236, %add3A_293 : i32
        %dma_start3A_295 = arith.constant 0 : i32
        %dma_start3A_296 = tpu.memref_slice %arg6[%add3A_294, %dma_start3A_295] : memref<400x64xi32, #tpu.memory_space<vmem>> -> memref<1x64xi32, #tpu.memory_space<vmem>>
        %dma_start3A_297 = tpu.memref_squeeze %dma_start3A_296 : memref<1x64xi32, #tpu.memory_space<vmem>> -> memref<64xi32, #tpu.memory_space<vmem>>
        %dma_start3A_298 = arith.constant 0 : i32
        %dma_start3A_299 = arith.constant 0 : i32
        %dma_start3A_300 = tpu.memref_slice %arg5[%dma_start3A_298, %dma_start3A_299] : memref<17x128xf32, #tpu.memory_space<vmem_shared>> -> memref<17x128xf32, #tpu.memory_space<vmem_shared>>
        tpu.enqueue_indirect_dma source(%dma_start3A_300 : memref<17x128xf32, #tpu.memory_space<vmem_shared>>) target(%arg9 : memref<64x128xf32, #tpu.memory_space<vmem>>) offsets(%dma_start3A_297 : memref<64xi32, #tpu.memory_space<vmem>>) semaphore(%arg17 : memref<!tpu.dma_semaphore, #tpu.memory_space<semaphore_mem>>)
      } else {
      }
      %dma_wait3A_249 = arith.constant 0 : i32
      %dma_wait3A_250 = arith.constant 0 : i32
      %dma_wait3A_251 = tpu.memref_slice %arg6[%dma_wait3A_249, %dma_wait3A_250] : memref<400x64xi32, #tpu.memory_space<vmem>> -> memref<1x64xi32, #tpu.memory_space<vmem>>
      %dma_wait3A_252 = tpu.memref_squeeze %dma_wait3A_251 : memref<1x64xi32, #tpu.memory_space<vmem>> -> memref<64xi32, #tpu.memory_space<vmem>>
      %dma_wait3A_253 = arith.constant 0 : i32
      %dma_wait3A_254 = arith.constant 0 : i32
      %dma_wait3A_255 = tpu.memref_slice %arg5[%dma_wait3A_253, %dma_wait3A_254] : memref<17x128xf32, #tpu.memory_space<vmem_shared>> -> memref<17x128xf32, #tpu.memory_space<vmem_shared>>
      tpu.wait_indirect_dma semaphore(%arg21 : memref<!tpu.dma_semaphore, #tpu.memory_space<semaphore_mem>>) src(%dma_wait3A_255 : memref<17x128xf32, #tpu.memory_space<vmem_shared>>) dst(%arg13 : memref<64x128xf32, #tpu.memory_space<vmem>>)
      %mul3A_256 = arith.constant 64 : i32
      %mul3A_257 = arith.muli %add3A_236, %mul3A_256 : i32
      %add3A_258 = arith.addi %mul3A_2, %mul3A_257 : i32
      %dma_start3A_259 = arith.constant 0 : i32
      %dma_start3A_260 = tpu.memref_slice %arg4[%add3A_258, %dma_start3A_259] : memref<819200x128xf32, #tpu.memory_space<hbm>> -> memref<64x128xf32, #tpu.memory_space<hbm>>
      %dma_start3A_261 = arith.constant 0 : i32
      %dma_start3A_262 = tpu.memref_slice %arg4[%add3A_258, %dma_start3A_261] : memref<819200x128xf32, #tpu.memory_space<hbm>> -> memref<64x128xf32, #tpu.memory_space<hbm>>
      tpu.enqueue_dma source(%arg13 : memref<64x128xf32, #tpu.memory_space<vmem>>) target(%dma_start3A_262 : memref<64x128xf32, #tpu.memory_space<hbm>>) target_semaphore(%arg29 : memref<!tpu.dma_semaphore, #tpu.memory_space<semaphore_mem>>)
      %mul3A_263 = arith.constant 8 : i32
      %mul3A_264 = arith.muli %scan3A_54, %mul3A_263 : i32
      %add3A_265 = arith.constant 7 : i32
      %add3A_266 = arith.addi %mul3A_264, %add3A_265 : i32
      %ge3A_267 = arith.constant 4 : i32
      %ge3A_268 = arith.cmpi sge, %add3A_266, %ge3A_267 : i32
      %convert_element_type3A_269 = arith.extui %ge3A_268 : i1 to i32
      %cond3A_270 = arith.constant 0 : i32
      %cond3A_271 = arith.cmpi ne, %convert_element_type3A_269, %cond3A_270 : i32
      scf.if %cond3A_271 {
        %dma_wait3A_293 = arith.constant 0 : i32
        %dma_wait3A_294 = tpu.memref_slice %arg4[%mul3A_2, %dma_wait3A_293] : memref<819200x128xf32, #tpu.memory_space<hbm>> -> memref<64x128xf32, #tpu.memory_space<hbm>>
        %dma_wait3A_295 = arith.constant 0 : i32
        %dma_wait3A_296 = tpu.memref_slice %arg4[%mul3A_2, %dma_wait3A_295] : memref<819200x128xf32, #tpu.memory_space<hbm>> -> memref<64x128xf32, #tpu.memory_space<hbm>>
        tpu.wait_dma2 semaphore(%arg26 : memref<!tpu.dma_semaphore, #tpu.memory_space<semaphore_mem>>) src(%arg10 : memref<64x128xf32, #tpu.memory_space<vmem>>) dst(%dma_wait3A_296 : memref<64x128xf32, #tpu.memory_space<hbm>>)
      } else {
      }
      %add3A_272 = arith.constant 4 : i32
      %add3A_273 = arith.addi %add3A_266, %add3A_272 : i32
      %lt3A_274 = arith.constant 400 : i32
      %lt3A_275 = arith.cmpi slt, %add3A_273, %lt3A_274 : i32
      %convert_element_type3A_276 = arith.extui %lt3A_275 : i1 to i32
      %cond3A_277 = arith.constant 0 : i32
      %cond3A_278 = arith.cmpi ne, %convert_element_type3A_276, %cond3A_277 : i32
      scf.if %cond3A_278 {
        %add3A_293 = arith.constant 4 : i32
        %add3A_294 = arith.addi %add3A_266, %add3A_293 : i32
        %dma_start3A_295 = arith.constant 0 : i32
        %dma_start3A_296 = tpu.memref_slice %arg6[%add3A_294, %dma_start3A_295] : memref<400x64xi32, #tpu.memory_space<vmem>> -> memref<1x64xi32, #tpu.memory_space<vmem>>
        %dma_start3A_297 = tpu.memref_squeeze %dma_start3A_296 : memref<1x64xi32, #tpu.memory_space<vmem>> -> memref<64xi32, #tpu.memory_space<vmem>>
        %dma_start3A_298 = arith.constant 0 : i32
        %dma_start3A_299 = arith.constant 0 : i32
        %dma_start3A_300 = tpu.memref_slice %arg5[%dma_start3A_298, %dma_start3A_299] : memref<17x128xf32, #tpu.memory_space<vmem_shared>> -> memref<17x128xf32, #tpu.memory_space<vmem_shared>>
        tpu.enqueue_indirect_dma source(%dma_start3A_300 : memref<17x128xf32, #tpu.memory_space<vmem_shared>>) target(%arg10 : memref<64x128xf32, #tpu.memory_space<vmem>>) offsets(%dma_start3A_297 : memref<64xi32, #tpu.memory_space<vmem>>) semaphore(%arg18 : memref<!tpu.dma_semaphore, #tpu.memory_space<semaphore_mem>>)
      } else {
      }
      %dma_wait3A_279 = arith.constant 0 : i32
      %dma_wait3A_280 = arith.constant 0 : i32
      %dma_wait3A_281 = tpu.memref_slice %arg6[%dma_wait3A_279, %dma_wait3A_280] : memref<400x64xi32, #tpu.memory_space<vmem>> -> memref<1x64xi32, #tpu.memory_space<vmem>>
      %dma_wait3A_282 = tpu.memref_squeeze %dma_wait3A_281 : memref<1x64xi32, #tpu.memory_space<vmem>> -> memref<64xi32, #tpu.memory_space<vmem>>
      %dma_wait3A_283 = arith.constant 0 : i32
      %dma_wait3A_284 = arith.constant 0 : i32
      %dma_wait3A_285 = tpu.memref_slice %arg5[%dma_wait3A_283, %dma_wait3A_284] : memref<17x128xf32, #tpu.memory_space<vmem_shared>> -> memref<17x128xf32, #tpu.memory_space<vmem_shared>>
      tpu.wait_indirect_dma semaphore(%arg22 : memref<!tpu.dma_semaphore, #tpu.memory_space<semaphore_mem>>) src(%dma_wait3A_285 : memref<17x128xf32, #tpu.memory_space<vmem_shared>>) dst(%arg14 : memref<64x128xf32, #tpu.memory_space<vmem>>)
      %mul3A_286 = arith.constant 64 : i32
      %mul3A_287 = arith.muli %add3A_266, %mul3A_286 : i32
      %add3A_288 = arith.addi %mul3A_2, %mul3A_287 : i32
      %dma_start3A_289 = arith.constant 0 : i32
      %dma_start3A_290 = tpu.memref_slice %arg4[%add3A_288, %dma_start3A_289] : memref<819200x128xf32, #tpu.memory_space<hbm>> -> memref<64x128xf32, #tpu.memory_space<hbm>>
      %dma_start3A_291 = arith.constant 0 : i32
      %dma_start3A_292 = tpu.memref_slice %arg4[%add3A_288, %dma_start3A_291] : memref<819200x128xf32, #tpu.memory_space<hbm>> -> memref<64x128xf32, #tpu.memory_space<hbm>>
      tpu.enqueue_dma source(%arg14 : memref<64x128xf32, #tpu.memory_space<vmem>>) target(%dma_start3A_292 : memref<64x128xf32, #tpu.memory_space<hbm>>) target_semaphore(%arg30 : memref<!tpu.dma_semaphore, #tpu.memory_space<semaphore_mem>>)
    }
    %scan3A_38 = arith.constant 50 : i32
    %dma_wait3A = arith.constant 0 : i32
    %dma_wait3A_39 = tpu.memref_slice %arg4[%mul3A_2, %dma_wait3A] : memref<819200x128xf32, #tpu.memory_space<hbm>> -> memref<64x128xf32, #tpu.memory_space<hbm>>
    %dma_wait3A_40 = arith.constant 0 : i32
    %dma_wait3A_41 = tpu.memref_slice %arg4[%mul3A_2, %dma_wait3A_40] : memref<819200x128xf32, #tpu.memory_space<hbm>> -> memref<64x128xf32, #tpu.memory_space<hbm>>
    tpu.wait_dma2 semaphore(%arg27 : memref<!tpu.dma_semaphore, #tpu.memory_space<semaphore_mem>>) src(%arg11 : memref<64x128xf32, #tpu.memory_space<vmem>>) dst(%dma_wait3A_41 : memref<64x128xf32, #tpu.memory_space<hbm>>)
    %dma_wait3A_42 = arith.constant 0 : i32
    %dma_wait3A_43 = tpu.memref_slice %arg4[%mul3A_2, %dma_wait3A_42] : memref<819200x128xf32, #tpu.memory_space<hbm>> -> memref<64x128xf32, #tpu.memory_space<hbm>>
    %dma_wait3A_44 = arith.constant 0 : i32
    %dma_wait3A_45 = tpu.memref_slice %arg4[%mul3A_2, %dma_wait3A_44] : memref<819200x128xf32, #tpu.memory_space<hbm>> -> memref<64x128xf32, #tpu.memory_space<hbm>>
    tpu.wait_dma2 semaphore(%arg28 : memref<!tpu.dma_semaphore, #tpu.memory_space<semaphore_mem>>) src(%arg12 : memref<64x128xf32, #tpu.memory_space<vmem>>) dst(%dma_wait3A_45 : memref<64x128xf32, #tpu.memory_space<hbm>>)
    %dma_wait3A_46 = arith.constant 0 : i32
    %dma_wait3A_47 = tpu.memref_slice %arg4[%mul3A_2, %dma_wait3A_46] : memref<819200x128xf32, #tpu.memory_space<hbm>> -> memref<64x128xf32, #tpu.memory_space<hbm>>
    %dma_wait3A_48 = arith.constant 0 : i32
    %dma_wait3A_49 = tpu.memref_slice %arg4[%mul3A_2, %dma_wait3A_48] : memref<819200x128xf32, #tpu.memory_space<hbm>> -> memref<64x128xf32, #tpu.memory_space<hbm>>
    tpu.wait_dma2 semaphore(%arg29 : memref<!tpu.dma_semaphore, #tpu.memory_space<semaphore_mem>>) src(%arg13 : memref<64x128xf32, #tpu.memory_space<vmem>>) dst(%dma_wait3A_49 : memref<64x128xf32, #tpu.memory_space<hbm>>)
    %dma_wait3A_50 = arith.constant 0 : i32
    %dma_wait3A_51 = tpu.memref_slice %arg4[%mul3A_2, %dma_wait3A_50] : memref<819200x128xf32, #tpu.memory_space<hbm>> -> memref<64x128xf32, #tpu.memory_space<hbm>>
    %dma_wait3A_52 = arith.constant 0 : i32
    %dma_wait3A_53 = tpu.memref_slice %arg4[%mul3A_2, %dma_wait3A_52] : memref<819200x128xf32, #tpu.memory_space<hbm>> -> memref<64x128xf32, #tpu.memory_space<hbm>>
    tpu.wait_dma2 semaphore(%arg30 : memref<!tpu.dma_semaphore, #tpu.memory_space<semaphore_mem>>) src(%arg14 : memref<64x128xf32, #tpu.memory_space<vmem>>) dst(%dma_wait3A_53 : memref<64x128xf32, #tpu.memory_space<hbm>>)
    return
  }
}

</mosaic_0001>

<sc_bundles>
// kernel: kernel.3.cloned.1.call-start
scs
__scs_entry_jumppad:
0x0: {  	(pc) =	sbr.rel $0x88, $3  }
0x1: {  	(tag) =	ssettag $0x0;
	lr =	simm.s32 $0x1  }
0x2: {  	[smem:$0x3F9F] =	sst lr;
	_ =	strace $0xD0000000  }
0x3: {  	_ = 	snop  }
0x4: {  	_ = 	snop  }
0x5: {  	_ = 	snop  }
0x6: {  	_ = 	snop  }
0x7: {  	_ = 	snop  }
__scs_overlays_trampoline_lowered:
0x8: {  	[smem:$0x3FAE] =	sst s0  }
0x9: {  	[smem:$0x3FAF] =	sst s1  }
0xa: {  	[smem:$0x3FB0] =	sst s2  }
0xb: {  	[smem:$0x3FB1] =	sst s3  }
0xc: {  	[smem:$0x3FB2] =	sst s4  }
0xd: {  	[smem:$0x3FB3] =	sst s5  }
0xe: {  	[smem:$0x3FB4] =	sst s6  }
0xf: {  	[smem:$0x3FB5] =	sst s7  }
0x10: {  	[smem:$0x3FB6] =	sst s8  }
0x11: {  	[smem:$0x3FB7] =	sst s9;
	s0 =	simm.s32 @!p0 $0x0  }
0x12: {  	s1 =	sld [smem:$0x3F9D];
	s0 =	simm.s32 @p0 $0x1  }
0x13: {  	[smem:$0x3FB8] =	sst s0;
	s0 =	simm.s32 @!p1 $0x0  }
0x14: {  	s2 =	sld [smem:$0x3F9C];
	s0 =	simm.s32 @p1 $0x1  }
0x15: {  	[smem:$0x3FB9] =	sst s0;
	s0 =	simm.s32 @!p2 $0x0  }
0x16: {  	s3 =	sld [smem:$0x3FDB];
	s0 =	simm.s32 @p2 $0x1  }
0x17: {  	s4 =	simm.s32 $0x1BF5;
	[smem:$0x3FBB] =	sst s0  }
0x18: {  	s0 =	sld [smem:$0x3F9E];
	_ =	swait.ge [sflag:s4], $0x0  }
0x19: {  	s7 =	sld [smem:$0x3F9F]  }
0x1a: {  	s8 =	sadd.s32 $0xFFFFE003, lr  }
0x1b: {  	s9 =	sadd.s32 $0xFFFFFEF7, lr;
	s5 =	simm.s32 $0xFFFFFFFF;
	p2 =	slt.u32 s8, $0xFFFFF086  }
0x1c: {  	p1 =	slt.u32 s9, $0xF7A;
	s5 =	simm.s32 @!p2 $0x0  }
0x1d: {  	s5 =	simm.s32 @p1 $0x1;
	p0 =	seq.s32 s7, s2  }
0x1e: {  	s7 =	smul.u32 @!p0 $0xF7A, s2;
	p2 =	seq.s32 @!p0 s5, $0x0  }
0x1f: {  	s9 =	smul.u32 $0xF7A, s1;
	s8 =	simm.s32 @!p0 $0x1BF5;
	p2 =	por !p2, p0  }
0x20: {  	[sflag:s8] =	ssyncset.s32 @!p0 $0xFFFFF086;
	s6 =	sadd.s32 @!p0 s3, s7;
	s7 =	simm.s32 @!p0 $0x108  }
0x21: {  	s3 =	sadd.s32 s3, s9;
	s6 =	sadd.s32 @!p0 $0x88, s6;
	s7 =	simm.s32 @p2 $0x1082  }
0x22: {  	[simem:s7], [sflag:s8] =	dma.local @!p0 [hbm:s6], $0xF7A  }
0x23: {  	s9 =	sor.u32 $0xD0000000, s2;
	s6 =	simm.s32 $0x108;
	_ =	swait.ge @!p0 [sflag:s8], $0x0  }
0x24: {  	s3 =	sadd.s32 $0x88, s3;
	s6 =	simm.s32 @!p1 $0x1082;
	[sflag:s4] =	ssyncset.s32 $0xFFFFF086  }
0x25: {  	[simem:s6], [sflag:s4] =	dma.local [hbm:s3], $0xF7A  }
0x26: {  	[smem:$0x3F9F] =	sst s1;
	(tag) =	ssettag s2;
	_ =	strace s9  }
0x27: {  	s1 =	sld [smem:$0x3FAF]  }
0x28: {  	s2 =	sld [smem:$0x3FB0]  }
0x29: {  	s4 =	sld [smem:$0x3FB2]  }
0x2a: {  	p0 =	seq.s32 s5, $0x0;
	s5 =	sld [smem:$0x3FB3]  }
0x2b: {  	s6 =	sld [smem:$0x3FB4]  }
0x2c: {  	s7 =	sld [smem:$0x3FB5]  }
0x2d: {  	s3 =	simm.s32 $0x108;
	s8 =	sld [smem:$0x3FB6]  }
0x2e: {  	s3 =	simm.s32 @!p0 $0x1082;
	s9 =	sld [smem:$0x3FB7]  }
0x2f: {  	lr =	sadd.s32 s0, s3;
	s0 =	sld [smem:$0x3FAE]  }
0x30: {  	s3 =	sld [smem:$0x3FB1]  }
0x31: {  	[smem:$0x3FBA] =	sst s10  }
0x32: {  	s10 =	sld [smem:$0x3FB8];
	_ =	sdelay $0x3  }
0x33: {  	p0 =	seq.s32 s10, $0x1;
	s10 =	sld [smem:$0x3FBA];
	_ =	sdelay $0x3  }
0x34: {  	[smem:$0x3FBA] =	sst s10  }
0x35: {  	s10 =	sld [smem:$0x3FB9];
	_ =	sdelay $0x3  }
0x36: {  	p1 =	seq.s32 s10, $0x1;
	s10 =	sld [smem:$0x3FBA];
	_ =	sdelay $0x3  }
0x37: {  	[smem:$0x3FBA] =	sst s10  }
0x38: {  	s10 =	sld [smem:$0x3FBB]  }
0x39: {  	_ = 	snop;
	(pc) =	sbr.ind lr, $3  }
0x3a: {  	_ = 	snop  }
0x3b: {  	_ = 	snop  }
0x3c: {  	p2 =	seq.s32 s10, $0x1;
	s10 =	sld [smem:$0x3FBA]  }
0x3d: {  	_ =	shalt  }
0x3e: {  	_ =	shalt  }
0x3f: {  	_ =	shalt  }
0x40: {  	_ =	shalt  }
0x41: {  	_ =	shalt  }
0x42: {  	_ =	shalt  }
0x43: {  	_ =	shalt  }
0x44: {  	_ =	shalt  }
0x45: {  	_ =	shalt  }
0x46: {  	_ =	shalt  }
0x47: {  	_ =	shalt  }
0x48: {  	_ =	shalt  }
0x49: {  	_ =	shalt  }
0x4a: {  	_ =	shalt  }
0x4b: {  	_ =	shalt  }
0x4c: {  	_ =	shalt  }
0x4d: {  	_ =	shalt  }
0x4e: {  	_ =	shalt  }
0x4f: {  	_ =	shalt  }
0x50: {  	_ =	shalt  }
0x51: {  	_ =	shalt  }
0x52: {  	_ =	shalt  }
0x53: {  	_ =	shalt  }
0x54: {  	_ =	shalt  }
0x55: {  	_ =	shalt  }
0x56: {  	_ =	shalt  }
0x57: {  	_ =	shalt  }
0x58: {  	_ =	shalt  }
0x59: {  	_ =	shalt  }
0x5a: {  	_ =	shalt  }
0x5b: {  	_ =	shalt  }
0x5c: {  	_ =	shalt  }
0x5d: {  	_ =	shalt  }
0x5e: {  	_ =	shalt  }
0x5f: {  	_ =	shalt  }
0x60: {  	_ =	shalt  }
0x61: {  	_ =	shalt  }
0x62: {  	_ =	shalt  }
0x63: {  	_ =	shalt  }
0x64: {  	_ =	shalt  }
0x65: {  	_ =	shalt  }
0x66: {  	_ =	shalt  }
0x67: {  	_ =	shalt  }
0x68: {  	_ =	shalt  }
0x69: {  	_ =	shalt  }
0x6a: {  	_ =	shalt  }
0x6b: {  	_ =	shalt  }
0x6c: {  	_ =	shalt  }
0x6d: {  	_ =	shalt  }
0x6e: {  	_ =	shalt  }
0x6f: {  	_ =	shalt  }
0x70: {  	_ =	shalt  }
0x71: {  	_ =	shalt  }
0x72: {  	_ =	shalt  }
0x73: {  	_ =	shalt  }
0x74: {  	_ =	shalt  }
0x75: {  	_ =	shalt  }
0x76: {  	_ =	shalt  }
0x77: {  	_ =	shalt  }
0x78: {  	_ =	shalt  }
0x79: {  	_ =	shalt  }
0x7a: {  	_ =	shalt  }
0x7b: {  	_ =	shalt  }
0x7c: {  	_ =	shalt  }
0x7d: {  	_ =	shalt  }
0x7e: {  	_ =	shalt  }
0x7f: {  	_ =	shalt  }
0x80: {  	_ =	shalt  }
0x81: {  	_ =	shalt  }
0x82: {  	_ =	shalt  }
0x83: {  	_ =	shalt  }
0x84: {  	_ =	shalt  }
0x85: {  	_ =	shalt  }
0x86: {  	_ =	shalt  }
0x87: {  	_ =	shalt  }
.Lfunc_end0:
.L_simem_size_0:
called_computation_lowered:
.L_overlay_start_0:
0x88: {  	s2 =	sld [smem:$0x3FD9]  }
0x89: {  	s3 =	sld [smem:$0x3FFE];
	_ =	sdelay $0x1  }
0x8a: {  	s1 =	srdreg.scid  }
0x8b: {  	s0 =	sand.u32 $0x1, s1  }
0x8c: {  	s17 =	sshll.u32 s0, $0xA;
	s2 =	sadd.s32 s3, s2  }
0x8d: {  	s2 =	sadd.s32 s2, s17  }
0x8e: {  	[smem:$0x3FC6] =	sst s2  }
0x8f: {  	_ = 	snop  }
0x90: {  	s2 =	sld [smem:$0x3FC8]  }
0x91: {  	s18 =	sld [smem:$0x3FD0];
	(tm) =	ssettm $0x1  }
0x92: {  	s4 =	sld [smem:$0x3FFB];
	_ =	sdelay $0x3  }
0x93: {  	_ =	strace s4  }
0x94: {  	s4 =	sld [smem:$0x3FFC];
	_ =	sdelay $0x3  }
0x95: {  	_ =	strace s4  }
0x96: {  	s4 =	sld [smem:$0x3FFD];
	_ =	sdelay $0x3  }
0x97: {  	_ =	strace s4  }
0x98: {  	_ =	strace $0x8FFFFFFF  }
0x99: {  	s19 =	sld [smem:$0x3FDB];
	_ =	sdelay $0x1  }
0x9a: {  	s5 =	simm.s32 $_scs_section_size  }
0x9b: {  	s6 =	simm.s32 $_size__tile_overlayer_lowered;
	s7 =	simm.s32 $_tile_overlayer_lowered  }
0x9c: {  	s22 =	simm.s32 $0x1BFF;
	s21 =	sshll.u32 s7, $0x1;
	s4 =	sadd.s32 s5, s19  }
0x9d: {  	s8 =	simm.s32 $0x0;
	s20 =	sshll.u32 s6, $0x1;
	s6 =	sadd.s32 s21, s4  }
0x9e: {  	[timem:s8], [sflag:s22] =	dma.local [hbm:s6], s20  }
0x9f: {  	_ =	swait.ge [sflag:s22], s20  }
0xa0: {  	s5 =	ssub.s32 $0x0, s20;
	[sflag:s22] =	ssyncset.done $0x0  }
0xa1: {  	[sflag:s22] =	ssyncadd.s32 s5;
	_ =	sdelay $0x1  }
0xa2: {  	s23 =	simm.s32 $0x1B8B  }
0xa3: {  	_ =	swait.ge [sflag:s23], $0x1  }
0xa4: {  	[sflag:s23] =	ssyncset.done $0x0  }
0xa5: {  	s25 =	simm.s32 $0x1B8E;
	s24 =	sld [smem:$0x3FFE];
	[sflag:s23] =	ssyncadd.s32 $0xFFFFFFFF  }
0xa6: {  	s26 =	simm.s32 $execute0_lowered;
	[smem:$0x3FD2] =	sst s25  }
0xa7: {  	s6 =	sshll.u32 s26, $0x1;
	_ =	strace $0x80000046;
	[dreg:$0x1] =	wrdreg $0xFFFFFFFF  }
0xa8: {  	s28 =	simm.s32 $_size_execute0_lowered;
	s4 =	sadd.s32 s4, s6;
	[dreg:$0x0] =	wrdreg $0x0  }
0xa9: {  	s6 =	sshll.u32 s28, $0x1;
	[dreg:$0x2] =	wrdreg s4  }
0xaa: {  	[dreg:$0x3] =	wrdreg s6  }
0xab: {  	[dreg:$0x4] =	wrdreg $0xC0  }
0xac: {  	_ =	task [dreg:s8], $0x5FFFF  }
0xad: {  	[dreg:$0x1] =	wrdreg $0xFFFFFFFF  }
0xae: {  	[dreg:$0x0] =	wrdreg $0x60  }
0xaf: {  	[dreg:$0x2] =	wrdreg s24  }
0xb0: {  	[dreg:$0x3] =	wrdreg s2  }
0xb1: {  	[dreg:$0x4] =	wrdreg s18  }
0xb2: {  	[dreg:$0x5] =	wrdreg $0x0  }
0xb3: {  	[dreg:$0x6] =	wrdreg $0x9  }
0xb4: {  	_ =	task.clear_ibuf [dreg:s8], $0x7FFFF;
	_ =	strace $0x90000046  }
0xb5: {  	s29 =	simm.s32 $0x9;
	_ =	strace $0x80000048  }
0xb6: {  	_ =	swait.ge [sflag:s29], $0x1  }
0xb7: {  	[sflag:s29] =	ssyncadd.s32 $0xFFFFFFFF  }
0xb8: {  	_ =	strace $0x90000048  }
0xb9: {  	_ =	sfence  }
0xba: {  	s30 =	sld [smem:$0x0];
	_ =	sdelay $0x2  }
0xbb: {  	s31 =	sshll.u32 s1, $0xD;
	s1 =	sshrl.u32 s1, $0x2  }
0xbc: {  	s3 =	sand.u32 $0x4000, s31;
	s1 =	sadd.s32 s1, s30  }
0xbd: {  	s0 =	sor.u32 s3, s0;
	s1 =	sshll.u32 s1, $0x11  }
0xbe: {  	s0 =	sor.u32 s1, s0  }
0xbf: {  	s0 =	sadd.s32 $0x8F2B, s0  }
0xc0: {  	[sflag:s0] =	ssyncadd.remote.s32 $0x1  }
0xc1: {  	_ =	sfence.sel $0xFFFF  }
0xc2: {  	[dreg:$0x0] =	wrdreg $0xFFFFFFFF;
	(pc) =	sbr.abs _section_cstart, $3  }
0xc3: {  	[dreg:$0x1] =	wrdreg $0xFFFFFFFF  }
0xc4: {  	_ =	task.clear_ibuf [dreg:s8], $0x2FFFF;
	_ =	strace $0x9FFFFFFF  }
0xc5: {  	(tm) =	ssettm $0x7FFFFFFF  }
tec
execute0_lowered:
.L_overlay_start_1:
0x0: {  	(tag) =	ssettag $0x1  }
0x1: {  	s0 =	srdreg.scid  }
0x2: {  	s1 =	stileid.u32;
	s5 =	rddreg [dreg:$0x0];
	s4 =	simm.s32 $0x0  }
0x3: {  	s28 =	simm.s32 $0x5;
	s29 =	simm.s32 $0xA;
	s30 =	simm.s32 $0x6  }
0x4: {  	s31 =	simm.s32 $0xB;
	s12 =	simm.s32 $0x8;
	s7 =	smul.u32 $0xC8000, s1  }
0x5: {  	s0 =	sand.u32 $0x1, s0;
	s2 =	sshll.u32 s1, $0x1;
	s8 =	smul.u32 $0x640000, s1  }
0x6: {  	[smem:$0x7FF] =	sst s4;
	p0 =	sne.s32 s1, $0x0;
	s10 =	smul.u32 $0x320000, s0  }
0x7: {  	s3 =	sor.u32 s0, s2;
	s9 =	ssub.s32 $0x2, s0;
	s0 =	smul.u32 $0x64000, s0  }
0x8: {  	s1 =	simm.s32 $0x7;
	s6 =	smul.u32 $0x1900, s3;
	s11 =	sshrl.u32 s9, $0x1  }
0x9: {  	s3 =	rddreg [dreg:$0x3];
	_ =	strace $0x80000047;
	s13 =	ssub.s32 s9, s11  }
0xa: {  	s8 =	sadd.s32 s10, s8;
	s0 =	sadd.s32 s0, s7;
	s10 =	simm.s32 $0x40  }
0xb: {  	s5 =	sadd.s32 s6, s5;
	s15 =	sor.u32 $0x4000, s8;
	s16 =	smax.u32 s13, $0x1  }
0xc: {  	[dreg:$0x5] =	wrdreg s0;
	s18 =	sshrl.u32 s8, $0x3;
	s19 =	sor.u32 $0xE000, s8  }
0xd: {  	s21 =	sor.u32 $0xC000, s8;
	s23 =	sor.u32 $0xA000, s8;
	s25 =	sor.u32 $0x8000, s8  }
0xe: {  	s0 =	sshrl.u32 @!p0 s3, $0x3;
	s6 =	simm.s32 $0x0;
	[dreg:$0xd] =	wrdreg s16  }
0xf: {  	s13 =	simm.s32 $0xC888;
	s14 =	sadd.s32 $0x400, s5;
	[dreg:$0x7] =	wrdreg s18  }
0x10: {  	s17 =	sshrl.u32 s15, $0x3;
	s20 =	sshrl.u32 s19, $0x3;
	[dreg:$0xe] =	wrdreg s0  }
0x11: {  	s22 =	sshrl.u32 s21, $0x3;
	s24 =	sshrl.u32 s23, $0x3;
	[dreg:$0xc] =	wrdreg s14  }
0x12: {  	s26 =	sshrl.u32 s25, $0x3;
	s18 =	simm.s32 $0x14888;
	[dreg:$0x6] =	wrdreg s17  }
0x13: {  	s19 =	simm.s32 $0x1;
	s21 =	simm.s32 $0x2;
	[dreg:$0x8] =	wrdreg s20  }
0x14: {  	s23 =	simm.s32 $0x3;
	s25 =	simm.s32 $0x4;
	[dreg:$0x9] =	wrdreg s22  }
0x15: {  	s0 =	simm.s32 $0xC;
	s15 =	simm.s32 $0xE888;
	[dreg:$0xa] =	wrdreg s24  }
0x16: {  	[dreg:$0xb] =	wrdreg s26;
	s20 =	simm.s32 $0x16888;
	s22 =	simm.s32 $0x18888  }
0x17: {  	s24 =	simm.s32 $0x1A888;
	s26 =	simm.s32 $0x9;
	s17 =	simm.s32 $0x10888  }
.LBB2_1:
0x18: {  	[dreg:$0xf] =	wrdreg s6  }
0x19: {  	s2 =	rddreg [dreg:$0x1]  }
0x1a: {  	s5 =	simm.s32 @!p0 $0x1C11;
	s6 =	rddreg [dreg:$0xe]  }
0x1b: {  	[spmem:s6], [sflag:s5] =	dma.local @!p0 [hbm:s2], $0x110  }
0x1c: {  	s5 =	simm.s32 @!p0 $0x11  }
0x1d: {  	_ =	swait.ge @!p0 [sflag:s5], $0x110  }
0x1e: {  	s7 =	simm.s32 $0x88;
	[sflag:s5] =	ssyncset.done @!p0 $0x0  }
0x1f: {  	s8 =	simm.s32 $0x11;
	s6 =	rddreg [dreg:$0xc];
	[sflag:s5] =	ssyncadd.s32 @!p0 $0xFFFFFEF0  }
0x20: {  	[tilespmem:s7], [sflag:$0x11] =	stream.linear.gather [hbm4b:s6+s4], $0xC800, $0x38;
	[tilespmem:$0x1C888] =	vst v63  }
0x21: {  	_ =	swait.ge [sflag:s8], $0xC800  }
0x22: {  	[sflag:s8] =	ssyncset.done $0x0  }
0x23: {  	[sflag:s8] =	ssyncadd.s32 $0xFFFF3800  }
0x24: {  	s9 =	simm.s32 $0xC888;
	[bflag:$0x0] =	sbarrier.arrive $0xFFFF  }
0x25: {  	[tilespmem:s9], [sflag:$0x1] =	stream.indirect.gather [spmem:s3], $0x80, s7, s10, $0xb8;
	[tilespmem:$0x1C888] =	vst v63  }
0x26: {  	s11 =	simm.s32 $0x108;
	p1 =	por $0x1, $0x1;
	s8 =	simm.s32 $0xE888  }
0x27: {  	[tilespmem:s8], [sflag:$0x2] =	stream.indirect.gather [spmem:s3], $0x80, s11, s10, $0xb8;
	[tilespmem:$0x1C888] =	vst v63  }
0x28: {  	s14 =	simm.s32 $0x188;
	p1 =	por p1, p1;
	s11 =	simm.s32 $0x10888  }
0x29: {  	[tilespmem:s11], [sflag:$0x3] =	stream.indirect.gather [spmem:s3], $0x80, s14, s10, $0xb8;
	[tilespmem:$0x1C888] =	vst v63  }
0x2a: {  	s16 =	simm.s32 $0x208;
	s5 =	simm.s32 @!p1 $0xD;
	s14 =	simm.s32 $0x12888  }
0x2b: {  	[tilespmem:s14], [sflag:$0x4] =	stream.indirect.gather [spmem:s3], $0x80, s16, s10, $0xb8;
	[tilespmem:$0x1C888] =	vst v63  }
0x2c: {  	_ =	swait.ge @!p1 [sflag:s5], $0x2000  }
0x2d: {  	[sflag:s5] =	ssyncset.done @!p1 $0x0  }
0x2e: {  	s2 =	simm.s32 $0x288;
	[sflag:s5] =	ssyncadd.s32 @!p1 $0xFFFFE000  }
0x2f: {  	[tilespmem:s18], [sflag:$0x5] =	stream.indirect.gather [spmem:s3], $0x80, s2, s10, $0xb8;
	[tilespmem:$0x1C888] =	vst v63  }
0x30: {  	_ =	swait.ge [sflag:s19], $0x2000  }
0x31: {  	[sflag:s19] =	ssyncset.done $0x0  }
0x32: {  	s7 =	rddreg [dreg:$0x7];
	[sflag:s19] =	ssyncadd.s32 $0xFFFFE000  }
0x33: {  	s2 =	rddreg [dreg:$0x2]  }
0x34: {  	s5 =	sadd.s32 s2, s7;
	s7 =	simm.s32 @!p1 $0xE  }
0x35: {  	[hbm4b:s5+s4] =	stream.linear.scatter [tilespmem:s9], [sflag:$0x9], $0x2000, $0x38;
	[tilespmem:$0x1C888] =	vst v63  }
0x36: {  	_ =	swait.ge @!p1 [sflag:s7], $0x2000  }
0x37: {  	[sflag:s7] =	ssyncset.done @!p1 $0x0  }
0x38: {  	s9 =	simm.s32 $0x308;
	[sflag:s7] =	ssyncadd.s32 @!p1 $0xFFFFE000  }
0x39: {  	[tilespmem:s20], [sflag:$0x6] =	stream.indirect.gather [spmem:s3], $0x80, s9, s10, $0xb8;
	[tilespmem:$0x1C888] =	vst v63  }
0x3a: {  	_ =	swait.ge [sflag:s21], $0x2000  }
0x3b: {  	s16 =	rddreg [dreg:$0x5]  }
0x3c: {  	[sflag:s21] =	ssyncset.done $0x0;
	s5 =	sadd.s32 s2, s16  }
0x3d: {  	s9 =	simm.s32 @!p1 $0xF;
	[sflag:s21] =	ssyncadd.s32 $0xFFFFE000;
	s6 =	sadd.s32 $0x400, s5  }
0x3e: {  	[hbm4b:s6+s4] =	stream.linear.scatter [tilespmem:s8], [sflag:$0xA], $0x2000, $0x38;
	[tilespmem:$0x1C888] =	vst v63  }
0x3f: {  	_ =	swait.ge @!p1 [sflag:s9], $0x2000  }
0x40: {  	[sflag:s9] =	ssyncset.done @!p1 $0x0  }
0x41: {  	[sflag:s9] =	ssyncadd.s32 @!p1 $0xFFFFE000;
	s9 =	simm.s32 $0x388  }
0x42: {  	[tilespmem:s22], [sflag:$0x7] =	stream.indirect.gather [spmem:s3], $0x80, s9, s10, $0xb8;
	[tilespmem:$0x1C888] =	vst v63  }
0x43: {  	_ =	swait.ge [sflag:s23], $0x2000  }
0x44: {  	s16 =	rddreg [dreg:$0x6];
	[sflag:s23] =	ssyncset.done $0x0  }
0x45: {  	s9 =	simm.s32 @!p1 $0x10;
	[sflag:s23] =	ssyncadd.s32 $0xFFFFE000;
	s7 =	sadd.s32 s2, s16  }
0x46: {  	[hbm4b:s7+s4] =	stream.linear.scatter [tilespmem:s11], [sflag:$0xB], $0x2000, $0x38;
	[tilespmem:$0x1C888] =	vst v63  }
0x47: {  	_ =	swait.ge @!p1 [sflag:s9], $0x2000  }
0x48: {  	[sflag:s9] =	ssyncset.done @!p1 $0x0  }
0x49: {  	s6 =	simm.s32 $0x408;
	[sflag:s9] =	ssyncadd.s32 @!p1 $0xFFFFE000  }
0x4a: {  	[tilespmem:s24], [sflag:$0x8] =	stream.indirect.gather [spmem:s3], $0x80, s6, s10, $0xb8;
	[tilespmem:$0x1C888] =	vst v63  }
0x4b: {  	_ =	swait.ge [sflag:s25], $0x2000  }
0x4c: {  	[sflag:s25] =	ssyncset.done $0x0  }
0x4d: {  	s5 =	sadd.s32 $0xC00, s5;
	[sflag:s25] =	ssyncadd.s32 $0xFFFFE000  }
0x4e: {  	[hbm4b:s5+s4] =	stream.linear.scatter [tilespmem:s14], [sflag:$0xC], $0x2000, $0x38;
	[tilespmem:$0x1C888] =	vst v63  }
0x4f: {  	p1 =	por $0x0, $0x0;
	_ =	swait.ge [sflag:s26], $0x2000  }
0x50: {  	s7 =	simm.s32 @!p1 $0x488;
	[sflag:s26] =	ssyncset.done $0x0  }
0x51: {  	s9 =	simm.s32 @!p1 $0x40;
	s5 =	simm.s32 @!p1 $0xC888;
	[sflag:s26] =	ssyncadd.s32 $0xFFFFE000  }
0x52: {  	[tilespmem:s5], [sflag:$0x1] =	stream.indirect.gather @!p1 [spmem:s3], $0x80, s7, s9, $0xb8;
	[tilespmem:$0x1C888] =	vst v63  }
0x53: {  	_ =	swait.ge [sflag:s28], $0x2000  }
0x54: {  	s8 =	rddreg [dreg:$0xb];
	[sflag:s28] =	ssyncset.done $0x0  }
0x55: {  	[sflag:s28] =	ssyncadd.s32 $0xFFFFE000;
	s5 =	sadd.s32 s2, s8  }
0x56: {  	[hbm4b:s5+s4] =	stream.linear.scatter [tilespmem:s18], [sflag:$0xD], $0x2000, $0x38;
	[tilespmem:$0x1C888] =	vst v63  }
0x57: {  	_ =	swait.ge [sflag:s29], $0x2000  }
0x58: {  	[sflag:s29] =	ssyncset.done $0x0  }
0x59: {  	s7 =	simm.s32 @!p1 $0xE888;
	s5 =	simm.s32 @!p1 $0x508;
	[sflag:s29] =	ssyncadd.s32 $0xFFFFE000  }
0x5a: {  	[tilespmem:s7], [sflag:$0x2] =	stream.indirect.gather @!p1 [spmem:s3], $0x80, s5, s9, $0xb8;
	[tilespmem:$0x1C888] =	vst v63  }
0x5b: {  	_ =	swait.ge [sflag:s30], $0x2000  }
0x5c: {  	s11 =	rddreg [dreg:$0xa];
	[sflag:s30] =	ssyncset.done $0x0  }
0x5d: {  	[sflag:s30] =	ssyncadd.s32 $0xFFFFE000;
	s5 =	sadd.s32 s2, s11  }
0x5e: {  	[hbm4b:s5+s4] =	stream.linear.scatter [tilespmem:s20], [sflag:$0xE], $0x2000, $0x38;
	[tilespmem:$0x1C888] =	vst v63  }
0x5f: {  	_ =	swait.ge [sflag:s31], $0x2000  }
0x60: {  	[sflag:s31] =	ssyncset.done $0x0  }
0x61: {  	s7 =	simm.s32 @!p1 $0x10888;
	s5 =	simm.s32 @!p1 $0x588;
	[sflag:s31] =	ssyncadd.s32 $0xFFFFE000  }
0x62: {  	[tilespmem:s7], [sflag:$0x3] =	stream.indirect.gather @!p1 [spmem:s3], $0x80, s5, s9, $0xb8;
	[tilespmem:$0x1C888] =	vst v63  }
0x63: {  	_ =	swait.ge [sflag:s1], $0x2000  }
0x64: {  	s14 =	rddreg [dreg:$0x9];
	[sflag:s1] =	ssyncset.done $0x0  }
0x65: {  	[sflag:s1] =	ssyncadd.s32 $0xFFFFE000;
	s5 =	sadd.s32 s2, s14  }
0x66: {  	[hbm4b:s5+s4] =	stream.linear.scatter [tilespmem:s22], [sflag:$0xF], $0x2000, $0x38;
	[tilespmem:$0x1C888] =	vst v63  }
0x67: {  	_ =	swait.ge [sflag:s0], $0x2000  }
0x68: {  	p6 =	por $0x0, $0x0;
	[sflag:s0] =	ssyncset.done $0x0  }
0x69: {  	s7 =	simm.s32 @!p1 $0x12888;
	s5 =	simm.s32 @!p1 $0x608;
	[sflag:s0] =	ssyncadd.s32 $0xFFFFE000  }
0x6a: {  	[tilespmem:s7], [sflag:$0x4] =	stream.indirect.gather @!p1 [spmem:s3], $0x80, s5, s9, $0xb8;
	[tilespmem:$0x1C888] =	vst v63  }
0x6b: {  	s14 =	simm.s32 $0x2000;
	s9 =	simm.s32 $0x1000;
	_ =	swait.ge [sflag:s12], $0x2000  }
0x6c: {  	p1 =	por p6, p6;
	s16 =	rddreg [dreg:$0x8];
	[sflag:s12] =	ssyncset.done $0x0  }
0x6d: {  	s7 =	sadd.s32 $0x2000, s2;
	[sflag:s12] =	ssyncadd.s32 $0xFFFFE000;
	s5 =	sadd.s32 s2, s16  }
.LBB2_2:
0x6e: {  	[hbm4b:s5+s4] =	stream.linear.scatter [tilespmem:s24], [sflag:$0x10], $0x2000, $0x38;
	[tilespmem:$0x1C888] =	vst v63  }
0x6f: {  	s6 =	simm.s32 @!p1 $0xD  }
0x70: {  	_ =	swait.ge @!p1 [sflag:s6], $0x2000  }
0x71: {  	s5 =	sshra.s32 s9, $0x2;
	[sflag:s6] =	ssyncset.done @!p1 $0x0  }
0x72: {  	s11 =	sadd.s32 $0x288, s5;
	[sflag:s6] =	ssyncadd.s32 @!p1 $0xFFFFE000  }
0x73: {  	[tilespmem:s18], [sflag:$0x5] =	stream.indirect.gather [spmem:s3], $0x80, s11, s10, $0xb8;
	[tilespmem:$0x1C888] =	vst v63  }
0x74: {  	_ =	swait.ge [sflag:s19], $0x2000  }
0x75: {  	s2 =	rddreg [dreg:$0x7];
	[sflag:s19] =	ssyncset.done $0x0  }
0x76: {  	[sflag:s19] =	ssyncadd.s32 $0xFFFFE000;
	s6 =	sadd.s32 s7, s2;
	s2 =	simm.s32 @!p1 $0xE  }
0x77: {  	[hbm4b:s6+s4] =	stream.linear.scatter [tilespmem:s13], [sflag:$0x9], $0x2000, $0x38;
	[tilespmem:$0x1C888] =	vst v63  }
0x78: {  	_ =	swait.ge @!p1 [sflag:s2], $0x2000  }
0x79: {  	[sflag:s2] =	ssyncset.done @!p1 $0x0  }
0x7a: {  	s6 =	sadd.s32 $0x308, s5;
	[sflag:s2] =	ssyncadd.s32 @!p1 $0xFFFFE000  }
0x7b: {  	[tilespmem:s20], [sflag:$0x6] =	stream.indirect.gather [spmem:s3], $0x80, s6, s10, $0xb8;
	[tilespmem:$0x1C888] =	vst v63  }
0x7c: {  	_ =	swait.ge [sflag:s21], $0x2000  }
0x7d: {  	s8 =	rddreg [dreg:$0x5]  }
0x7e: {  	[sflag:s21] =	ssyncset.done $0x0;
	s2 =	sadd.s32 s7, s8  }
0x7f: {  	[sflag:s21] =	ssyncadd.s32 $0xFFFFE000;
	s8 =	simm.s32 @!p1 $0xF;
	s11 =	sadd.s32 $0x400, s2  }
0x80: {  	[hbm4b:s11+s4] =	stream.linear.scatter [tilespmem:s15], [sflag:$0xA], $0x2000, $0x38;
	[tilespmem:$0x1C888] =	vst v63  }
0x81: {  	_ =	swait.ge @!p1 [sflag:s8], $0x2000  }
0x82: {  	[sflag:s8] =	ssyncset.done @!p1 $0x0  }
0x83: {  	s11 =	sadd.s32 $0x388, s5;
	[sflag:s8] =	ssyncadd.s32 @!p1 $0xFFFFE000  }
0x84: {  	[tilespmem:s22], [sflag:$0x7] =	stream.indirect.gather [spmem:s3], $0x80, s11, s10, $0xb8;
	[tilespmem:$0x1C888] =	vst v63  }
0x85: {  	_ =	swait.ge [sflag:s23], $0x2000  }
0x86: {  	s8 =	rddreg [dreg:$0x6];
	[sflag:s23] =	ssyncset.done $0x0  }
0x87: {  	[sflag:s23] =	ssyncadd.s32 $0xFFFFE000;
	s6 =	sadd.s32 s7, s8;
	s8 =	simm.s32 @!p1 $0x10  }
0x88: {  	[hbm4b:s6+s4] =	stream.linear.scatter [tilespmem:s17], [sflag:$0xB], $0x2000, $0x38;
	[tilespmem:$0x1C888] =	vst v63  }
0x89: {  	_ =	swait.ge @!p1 [sflag:s8], $0x2000  }
0x8a: {  	[sflag:s8] =	ssyncset.done @!p1 $0x0  }
0x8b: {  	s5 =	sadd.s32 $0x408, s5;
	[sflag:s8] =	ssyncadd.s32 @!p1 $0xFFFFE000  }
0x8c: {  	[tilespmem:s24], [sflag:$0x8] =	stream.indirect.gather [spmem:s3], $0x80, s5, s10, $0xb8;
	[tilespmem:$0x1C888] =	vst v63  }
0x8d: {  	s16 =	smov.u32 s14;
	_ =	swait.ge [sflag:s25], $0x2000  }
0x8e: {  	p3 =	seq.s32 s16, $0x0;
	[sflag:s25] =	ssyncset.done $0x0  }
0x8f: {  	s2 =	sadd.s32 $0xC00, s2;
	s11 =	simm.s32 $0x12888;
	[sflag:s25] =	ssyncadd.s32 $0xFFFFE000  }
0x90: {  	[hbm4b:s2+s4] =	stream.linear.scatter [tilespmem:s11], [sflag:$0xC], $0x2000, $0x38;
	[tilespmem:$0x1C888] =	vst v63  }
0x91: {  	p1 =	por p3, p3;
	p3 =	seq.s32 s9, $0x31000;
	_ =	swait.ge [sflag:s26], $0x2000  }
0x92: {  	s6 =	simm.s32 @!p3 $0xC888;
	s2 =	sshra.s32 @!p3 s9, $0x2;
	[sflag:s26] =	ssyncset.done $0x0  }
0x93: {  	s5 =	simm.s32 @!p3 $0x40;
	s8 =	sadd.s32 @!p3 $0x488, s2;
	[sflag:s26] =	ssyncadd.s32 $0xFFFFE000  }
0x94: {  	[tilespmem:s6], [sflag:$0x1] =	stream.indirect.gather @!p3 [spmem:s3], $0x80, s8, s5, $0xb8;
	[tilespmem:$0x1C888] =	vst v63  }
0x95: {  	_ =	swait.ge [sflag:s28], $0x2000  }
0x96: {  	s11 =	rddreg [dreg:$0xb];
	[sflag:s28] =	ssyncset.done $0x0  }
0x97: {  	[sflag:s28] =	ssyncadd.s32 $0xFFFFE000;
	s11 =	sadd.s32 s7, s11  }
0x98: {  	[hbm4b:s11+s4] =	stream.linear.scatter [tilespmem:s18], [sflag:$0xD], $0x2000, $0x38;
	[tilespmem:$0x1C888] =	vst v63  }
0x99: {  	_ =	swait.ge [sflag:s29], $0x2000  }
0x9a: {  	[sflag:s29] =	ssyncset.done $0x0  }
0x9b: {  	s6 =	sadd.s32 @!p3 $0x508, s2;
	s11 =	simm.s32 @!p3 $0xE888;
	[sflag:s29] =	ssyncadd.s32 $0xFFFFE000  }
0x9c: {  	[tilespmem:s11], [sflag:$0x2] =	stream.indirect.gather @!p3 [spmem:s3], $0x80, s6, s5, $0xb8;
	[tilespmem:$0x1C888] =	vst v63  }
0x9d: {  	_ =	swait.ge [sflag:s30], $0x2000  }
0x9e: {  	s9 =	smov.u32 s16;
	s16 =	rddreg [dreg:$0xa];
	[sflag:s30] =	ssyncset.done $0x0  }
0x9f: {  	[sflag:s30] =	ssyncadd.s32 $0xFFFFE000;
	s6 =	sadd.s32 s7, s16  }
0xa0: {  	[hbm4b:s6+s4] =	stream.linear.scatter [tilespmem:s20], [sflag:$0xE], $0x2000, $0x38;
	[tilespmem:$0x1C888] =	vst v63  }
0xa1: {  	_ =	swait.ge [sflag:s31], $0x2000  }
0xa2: {  	[sflag:s31] =	ssyncset.done $0x0  }
0xa3: {  	s8 =	sadd.s32 @!p3 $0x588, s2;
	s6 =	simm.s32 @!p3 $0x10888;
	[sflag:s31] =	ssyncadd.s32 $0xFFFFE000  }
0xa4: {  	[tilespmem:s6], [sflag:$0x3] =	stream.indirect.gather @!p3 [spmem:s3], $0x80, s8, s5, $0xb8;
	[tilespmem:$0x1C888] =	vst v63  }
0xa5: {  	_ =	swait.ge [sflag:s1], $0x2000  }
0xa6: {  	s11 =	rddreg [dreg:$0x9];
	[sflag:s1] =	ssyncset.done $0x0  }
0xa7: {  	[sflag:s1] =	ssyncadd.s32 $0xFFFFE000;
	s6 =	sadd.s32 s7, s11  }
0xa8: {  	[hbm4b:s6+s4] =	stream.linear.scatter [tilespmem:s22], [sflag:$0xF], $0x2000, $0x38;
	[tilespmem:$0x1C888] =	vst v63  }
0xa9: {  	s14 =	sadd.s32 $0x1000, s14;
	_ =	swait.ge [sflag:s0], $0x2000  }
0xaa: {  	p2 =	sne.s32 s14, $0x32000;
	s2 =	sadd.s32 @!p3 $0x608, s2;
	[sflag:s0] =	ssyncset.done $0x0  }
.Ltmp0:
0xab: {  	s6 =	simm.s32 @!p3 $0x12888;
	[sflag:s0] =	ssyncadd.s32 $0xFFFFE000;
	(pc) =	sbr.rel @p2 .LBB2_2-.Ltmp0, $4  }
0xac: {  	[tilespmem:s6], [sflag:$0x4] =	stream.indirect.gather @!p3 [spmem:s3], $0x80, s2, s5, $0xb8;
	[tilespmem:$0x1C888] =	vst v63  }
0xad: {  	_ =	swait.ge [sflag:s12], $0x2000  }
0xae: {  	[sflag:s12] =	ssyncset.done $0x0;
	s16 =	rddreg [dreg:$0x8]  }
0xaf: {  	[sflag:s12] =	ssyncadd.s32 $0xFFFFE000;
	s5 =	sadd.s32 s7, s16;
	s7 =	sadd.s32 $0x2000, s7  }
0xb0: {  	[hbm4b:s5+s4] =	stream.linear.scatter [tilespmem:s24], [sflag:$0x10], $0x2000, $0x38;
	[tilespmem:$0x1C888] =	vst v63  }
0xb1: {  	s2 =	simm.s32 @!p1 $0xD  }
0xb2: {  	_ =	swait.ge @!p1 [sflag:s2], $0x2000  }
0xb3: {  	s5 =	sshra.s32 s9, $0x2;
	[sflag:s2] =	ssyncset.done @!p1 $0x0  }
0xb4: {  	s14 =	sadd.s32 $0x288, s5;
	[sflag:s2] =	ssyncadd.s32 @!p1 $0xFFFFE000  }
0xb5: {  	[tilespmem:s18], [sflag:$0x5] =	stream.indirect.gather [spmem:s3], $0x80, s14, s10, $0xb8;
	[tilespmem:$0x1C888] =	vst v63  }
0xb6: {  	_ =	swait.ge [sflag:s19], $0x2000  }
0xb7: {  	s16 =	rddreg [dreg:$0x7];
	[sflag:s19] =	ssyncset.done $0x0  }
0xb8: {  	s6 =	simm.s32 @!p1 $0xE;
	[sflag:s19] =	ssyncadd.s32 $0xFFFFE000;
	s2 =	sadd.s32 s7, s16  }
0xb9: {  	[hbm4b:s2+s4] =	stream.linear.scatter [tilespmem:s13], [sflag:$0x9], $0x2000, $0x38;
	[tilespmem:$0x1C888] =	vst v63  }
0xba: {  	_ =	swait.ge @!p1 [sflag:s6], $0x2000  }
0xbb: {  	[sflag:s6] =	ssyncset.done @!p1 $0x0  }
0xbc: {  	[sflag:s6] =	ssyncadd.s32 @!p1 $0xFFFFE000;
	s6 =	sadd.s32 $0x308, s5  }
0xbd: {  	[tilespmem:s20], [sflag:$0x6] =	stream.indirect.gather [spmem:s3], $0x80, s6, s10, $0xb8;
	[tilespmem:$0x1C888] =	vst v63  }
0xbe: {  	_ =	swait.ge [sflag:s21], $0x2000  }
0xbf: {  	s8 =	rddreg [dreg:$0x5]  }
0xc0: {  	[sflag:s21] =	ssyncset.done $0x0;
	s2 =	sadd.s32 s7, s8  }
0xc1: {  	s6 =	simm.s32 @!p1 $0xF;
	[sflag:s21] =	ssyncadd.s32 $0xFFFFE000;
	s11 =	sadd.s32 $0x400, s2  }
0xc2: {  	[hbm4b:s11+s4] =	stream.linear.scatter [tilespmem:s15], [sflag:$0xA], $0x2000, $0x38;
	[tilespmem:$0x1C888] =	vst v63  }
0xc3: {  	_ =	swait.ge @!p1 [sflag:s6], $0x2000  }
0xc4: {  	[sflag:s6] =	ssyncset.done @!p1 $0x0  }
0xc5: {  	s14 =	sadd.s32 $0x388, s5;
	[sflag:s6] =	ssyncadd.s32 @!p1 $0xFFFFE000  }
0xc6: {  	[tilespmem:s22], [sflag:$0x7] =	stream.indirect.gather [spmem:s3], $0x80, s14, s10, $0xb8;
	[tilespmem:$0x1C888] =	vst v63  }
0xc7: {  	_ =	swait.ge [sflag:s23], $0x2000  }
0xc8: {  	s16 =	rddreg [dreg:$0x6];
	[sflag:s23] =	ssyncset.done $0x0  }
0xc9: {  	[sflag:s23] =	ssyncadd.s32 $0xFFFFE000;
	s6 =	sadd.s32 s7, s16  }
0xca: {  	[hbm4b:s6+s4] =	stream.linear.scatter [tilespmem:s17], [sflag:$0xB], $0x2000, $0x38;
	[tilespmem:$0x1C888] =	vst v63  }
0xcb: {  	s6 =	simm.s32 @!p1 $0x10  }
0xcc: {  	_ =	swait.ge @!p1 [sflag:s6], $0x2000  }
0xcd: {  	[sflag:s6] =	ssyncset.done @!p1 $0x0  }
0xce: {  	s5 =	sadd.s32 $0x408, s5;
	[sflag:s6] =	ssyncadd.s32 @!p1 $0xFFFFE000  }
0xcf: {  	[tilespmem:s24], [sflag:$0x8] =	stream.indirect.gather [spmem:s3], $0x80, s5, s10, $0xb8;
	[tilespmem:$0x1C888] =	vst v63  }
0xd0: {  	_ =	swait.ge [sflag:s25], $0x2000  }
0xd1: {  	[sflag:s25] =	ssyncset.done $0x0  }
0xd2: {  	s8 =	simm.s32 $0x12888;
	s2 =	sadd.s32 $0xC00, s2;
	[sflag:s25] =	ssyncadd.s32 $0xFFFFE000  }
0xd3: {  	[hbm4b:s2+s4] =	stream.linear.scatter [tilespmem:s8], [sflag:$0xC], $0x2000, $0x38;
	[tilespmem:$0x1C888] =	vst v63  }
0xd4: {  	p1 =	seq.s32 s9, $0x31000;
	_ =	swait.ge [sflag:s26], $0x2000  }
0xd5: {  	s5 =	simm.s32 @!p1 $0xC888;
	s2 =	sshra.s32 @!p1 s9, $0x2;
	[sflag:s26] =	ssyncset.done $0x0  }
0xd6: {  	s8 =	simm.s32 @!p1 $0x40;
	s6 =	sadd.s32 @!p1 $0x488, s2;
	[sflag:s26] =	ssyncadd.s32 $0xFFFFE000  }
0xd7: {  	[tilespmem:s5], [sflag:$0x1] =	stream.indirect.gather @!p1 [spmem:s3], $0x80, s6, s8, $0xb8;
	[tilespmem:$0x1C888] =	vst v63  }
0xd8: {  	_ =	swait.ge [sflag:s28], $0x2000  }
0xd9: {  	s11 =	rddreg [dreg:$0xb];
	[sflag:s28] =	ssyncset.done $0x0  }
0xda: {  	[sflag:s28] =	ssyncadd.s32 $0xFFFFE000;
	s5 =	sadd.s32 s7, s11  }
0xdb: {  	[hbm4b:s5+s4] =	stream.linear.scatter [tilespmem:s18], [sflag:$0xD], $0x2000, $0x38;
	[tilespmem:$0x1C888] =	vst v63  }
0xdc: {  	_ =	swait.ge [sflag:s29], $0x2000  }
0xdd: {  	[sflag:s29] =	ssyncset.done $0x0  }
0xde: {  	s6 =	simm.s32 @!p1 $0xE888;
	s5 =	sadd.s32 @!p1 $0x508, s2;
	[sflag:s29] =	ssyncadd.s32 $0xFFFFE000  }
0xdf: {  	[tilespmem:s6], [sflag:$0x2] =	stream.indirect.gather @!p1 [spmem:s3], $0x80, s5, s8, $0xb8;
	[tilespmem:$0x1C888] =	vst v63  }
0xe0: {  	_ =	swait.ge [sflag:s30], $0x2000  }
0xe1: {  	s14 =	rddreg [dreg:$0xa];
	[sflag:s30] =	ssyncset.done $0x0  }
0xe2: {  	[sflag:s30] =	ssyncadd.s32 $0xFFFFE000;
	s5 =	sadd.s32 s7, s14  }
0xe3: {  	[hbm4b:s5+s4] =	stream.linear.scatter [tilespmem:s20], [sflag:$0xE], $0x2000, $0x38;
	[tilespmem:$0x1C888] =	vst v63  }
0xe4: {  	_ =	swait.ge [sflag:s31], $0x2000  }
0xe5: {  	[sflag:s31] =	ssyncset.done $0x0  }
0xe6: {  	s6 =	simm.s32 @!p1 $0x10888;
	s5 =	sadd.s32 @!p1 $0x588, s2;
	[sflag:s31] =	ssyncadd.s32 $0xFFFFE000  }
0xe7: {  	[tilespmem:s6], [sflag:$0x3] =	stream.indirect.gather @!p1 [spmem:s3], $0x80, s5, s8, $0xb8;
	[tilespmem:$0x1C888] =	vst v63  }
0xe8: {  	_ =	swait.ge [sflag:s1], $0x2000  }
0xe9: {  	s16 =	rddreg [dreg:$0x9];
	[sflag:s1] =	ssyncset.done $0x0  }
0xea: {  	[sflag:s1] =	ssyncadd.s32 $0xFFFFE000;
	s5 =	sadd.s32 s7, s16  }
0xeb: {  	[hbm4b:s5+s4] =	stream.linear.scatter [tilespmem:s22], [sflag:$0xF], $0x2000, $0x38;
	[tilespmem:$0x1C888] =	vst v63  }
0xec: {  	_ =	swait.ge [sflag:s0], $0x2000  }
0xed: {  	[sflag:s0] =	ssyncset.done $0x0  }
0xee: {  	s2 =	sadd.s32 @!p1 $0x608, s2;
	s5 =	simm.s32 @!p1 $0x12888;
	[sflag:s0] =	ssyncadd.s32 $0xFFFFE000  }
0xef: {  	[tilespmem:s5], [sflag:$0x4] =	stream.indirect.gather @!p1 [spmem:s3], $0x80, s2, s8, $0xb8;
	[tilespmem:$0x1C888] =	vst v63  }
0xf0: {  	_ =	swait.ge [sflag:s12], $0x2000  }
0xf1: {  	s6 =	rddreg [dreg:$0x8];
	[sflag:s12] =	ssyncset.done $0x0  }
0xf2: {  	s2 =	sadd.s32 s7, s6;
	[sflag:s12] =	ssyncadd.s32 $0xFFFFE000;
	s7 =	simm.s32 $0xD  }
0xf3: {  	[hbm4b:s2+s4] =	stream.linear.scatter [tilespmem:s24], [sflag:$0x10], $0x2000, $0x38;
	[tilespmem:$0x1C888] =	vst v63  }
0xf4: {  	_ =	swait.ge [sflag:s7], $0x2000  }
0xf5: {  	[sflag:s7] =	ssyncset.done $0x0  }
0xf6: {  	s8 =	simm.s32 $0xE;
	[sflag:s7] =	ssyncadd.s32 $0xFFFFE000  }
0xf7: {  	_ =	swait.ge [sflag:s8], $0x2000  }
0xf8: {  	[sflag:s8] =	ssyncset.done $0x0  }
0xf9: {  	s9 =	simm.s32 $0xF;
	[sflag:s8] =	ssyncadd.s32 $0xFFFFE000  }
0xfa: {  	_ =	swait.ge [sflag:s9], $0x2000  }
0xfb: {  	[sflag:s9] =	ssyncset.done $0x0  }
0xfc: {  	s11 =	simm.s32 $0x10;
	[sflag:s9] =	ssyncadd.s32 $0xFFFFE000  }
0xfd: {  	_ =	swait.ge [sflag:s11], $0x2000  }
0xfe: {  	s14 =	rddreg [dreg:$0xf]  }
0xff: {  	s16 =	rddreg [dreg:$0xd];
	s6 =	sadd.s32 $0x1, s14  }
0x100: {  	p1 =	sne.s32 s6, s16  }
.Ltmp1:
0x101: {  	_ = 	snop;
	(pc) =	sbr.rel @p1 .LBB2_1-.Ltmp1, $3  }
0x102: {  	_ =	sdelay $0x1  }
0x103: {  	[sflag:s11] =	ssyncset.done $0x0  }
0x104: {  	[sflag:s11] =	ssyncadd.s32 $0xFFFFE000  }
0x105: {  	_ =	sfence.sel $0x180000  }
0x106: {  	[bflag:$0x0] =	sbarrier.arrive $0xFFFF  }
0x107: {  	_ =	strace $0x90000047  }
0x108: {  	[bflag:$0x2] =	sbarrier.arrive $0xFFFF  }
0x109: {  	s0 =	rddreg [dreg:$0x4]  }
0x10a: {  	s0 =	sadd.s32 @!p0 $0x100000, s0  }
0x10b: {  	[sflag:s0] =	ssyncadd.tile.s32 @!p0 $0x1;
	_ =	shalt  }
.Lfunc_end2:
_tile_overlayer_lowered:
.L_overlay_start_2:
0x10c: {  	(tag) =	ssettag $0x2  }
0x10d: {  	s0 =	rddreg [dreg:$0x0];
	s2 =	stileid.u32  }
0x10e: {  	s1 =	rddreg [dreg:$0x1];
	p0 =	sne.s32 s2, $0x0  }
0x10f: {  	s3 =	rddreg [dreg:$0x2];
	[bflag:$0x3] =	sbarrier.arrive $0xFFFF;
	s2 =	simm.s32 @!p0 $0x1C11  }
0x110: {  	[timem:s3], [sflag:s2] =	dma.local @!p0 [hbm:s0], s1  }
0x111: {  	s0 =	simm.s32 @!p0 $0x11  }
0x112: {  	_ =	swait.ge @!p0 [sflag:s0], s1  }
0x113: {  	s1 =	ssub.s32 @!p0 $0x0, s1;
	[sflag:s0] =	ssyncset.done @!p0 $0x0  }
0x114: {  	[sflag:s0] =	ssyncadd.s32 @!p0 s1  }
0x115: {  	[bflag:$0x3] =	sbarrier.arrive $0xFFFF  }
0x116: {  	_ =	shalt  }

</sc_bundles>
